<compile_context>
chip_gen: v7x
topology: tpu7x:2x2x1
jax: 0.10.2.dev20260603
libtpu: 0.0.44.dev20260713+nightly
codegen_flags: <defaults>
</compile_context>

<pallas_src>
import functools

import jax
import jax.numpy as jnp
from jax import lax
from jax.experimental import pallas as pl
from jax.experimental.pallas import tpu as pltpu
from jax.experimental.pallas import tpu_sc as plsc

N_NODES = 10000
N_EDGES = 320000
D_IN = 128
D_HID = 16
D_OUT = 40

NC = 2
NS = 16

CHUNK = 128
N_CHUNKS = N_EDGES // CHUNK
NSLAB = 96
NBUF = 24
D_LEAD = 12
S_LAG = 12
R_AGG = (13, 25)
R_DEG = (53, 100)
ACC_ROWS = 10112
ROWS_PER_TILE = ACC_ROWS // NS

_sc_mesh = plsc.VectorSubcoreMesh(core_axis_name="c", subcore_axis_name="s")
_sc_params = pltpu.CompilerParams(use_tc_tiling_on_sc=False)


def _worker_range(cid, sid, ratio):
    ps = sid * N_CHUNKS // NS
    pe = (sid + 1) * N_CHUNKS // NS
    n_pair = pe - ps
    n0 = n_pair * ratio[0] // ratio[1]
    start = ps + cid * n0
    n = jnp.where(cid == 0, n0, n_pair - n0)
    sstart = jnp.minimum(start, N_CHUNKS - NSLAB)
    return sstart, start - sstart, n


@functools.partial(
    pl.kernel,
    out_type=jax.ShapeDtypeStruct((NC, ACC_ROWS, 16), jnp.float32),
    mesh=_sc_mesh,
    compiler_params=_sc_params,
    scratch_types=[
        pltpu.VMEM((NSLAB, CHUNK), jnp.int32),
        pltpu.VMEM((CHUNK, 16), jnp.float32),
        pltpu.VMEM_SHARED((ACC_ROWS, 16), jnp.float32),
        pltpu.SemaphoreType.DMA,
    ],
)
def _sc_degree(ei_hbm, ones_hbm, zeros_hbm, out_hbm, didx_v, ones_v, acc,
               ssem):
    cid = lax.axis_index("c")
    sid = lax.axis_index("s")
    sstart, off, nch = _worker_range(cid, sid, R_DEG)

    row0 = sid * ROWS_PER_TILE
    pltpu.sync_copy(
        zeros_hbm.at[pl.ds(row0, ROWS_PER_TILE)],
        acc.at[pl.ds(row0, ROWS_PER_TILE)],
    )
    pltpu.sync_copy(ei_hbm.at[1, pl.ds(sstart, NSLAB)], didx_v)
    pltpu.sync_copy(ones_hbm, ones_v)
    plsc.subcore_barrier()

    def body(i, carry):
        pltpu.async_copy(ones_v, acc.at[didx_v.at[off + i]], ssem, add=True)
        return carry

    lax.fori_loop(0, nch, body, 0)

    def drain(i, carry):
        pltpu.make_async_copy(
            zeros_hbm.at[pl.ds(0, CHUNK)], ones_v, ssem
        ).wait()
        return carry

    lax.fori_loop(0, nch, drain, 0)
    plsc.subcore_barrier()
    pltpu.sync_copy(
        acc.at[pl.ds(row0, ROWS_PER_TILE)],
        out_hbm.at[cid, pl.ds(row0, ROWS_PER_TILE)],
    )


@functools.partial(
    pl.kernel,
    out_type=jax.ShapeDtypeStruct((NC, ACC_ROWS, D_HID), jnp.float32),
    mesh=_sc_mesh,
    compiler_params=_sc_params,
    scratch_types=[
        pltpu.VMEM((NSLAB, CHUNK), jnp.int32),
        pltpu.VMEM((NSLAB, CHUNK), jnp.int32),
        pltpu.VMEM((NBUF, CHUNK, D_HID), jnp.float32),
        pltpu.SemaphoreType.DMA,
        pltpu.SemaphoreType.DMA,
        pltpu.VMEM_SHARED((ACC_ROWS, D_HID), jnp.float32),
    ],
)
def _sc_agg(g_hbm, ei_hbm, zeros_hbm, out_hbm, sidx_v, didx_v, msg_v, gsem,
            ssem, acc):
    cid = lax.axis_index("c")
    sid = lax.axis_index("s")
    sstart, off, nch = _worker_range(cid, sid, R_AGG)

    row0 = sid * ROWS_PER_TILE
    pltpu.sync_copy(
        zeros_hbm.at[pl.ds(row0, ROWS_PER_TILE)],
        acc.at[pl.ds(row0, ROWS_PER_TILE)],
    )
    pltpu.sync_copy(ei_hbm.at[0, pl.ds(sstart, NSLAB)], sidx_v)
    pltpu.sync_copy(ei_hbm.at[1, pl.ds(sstart, NSLAB)], didx_v)
    plsc.subcore_barrier()

    def prologue(j, carry):
        pltpu.async_copy(g_hbm.at[sidx_v.at[off + j]], msg_v.at[j], gsem)
        return carry

    lax.fori_loop(0, jnp.minimum(D_LEAD, nch), prologue, 0)

    def body(i, carry):
        b = lax.rem(i, NBUF)
        pltpu.make_async_copy(
            g_hbm.at[pl.ds(0, CHUNK)], msg_v.at[b], gsem
        ).wait()
        pltpu.async_copy(msg_v.at[b], acc.at[didx_v.at[off + i]], ssem,
                         add=True)

        @pl.when(i >= S_LAG)
        def _():
            pltpu.make_async_copy(
                g_hbm.at[pl.ds(0, CHUNK)], msg_v.at[b], ssem
            ).wait()

        @pl.when(i + D_LEAD < nch)
        def _():
            pltpu.async_copy(g_hbm.at[sidx_v.at[off + i + D_LEAD]],
                             msg_v.at[lax.rem(i + D_LEAD, NBUF)], gsem)
        return carry

    lax.fori_loop(0, nch, body, 0)

    def drain(j, carry):
        pltpu.make_async_copy(
            g_hbm.at[pl.ds(0, CHUNK)], msg_v.at[0], ssem
        ).wait()
        return carry

    lax.fori_loop(0, jnp.minimum(S_LAG, nch), drain, 0)
    plsc.subcore_barrier()
    pltpu.sync_copy(
        acc.at[pl.ds(row0, ROWS_PER_TILE)],
        out_hbm.at[cid, pl.ds(row0, ROWS_PER_TILE)],
    )


P_NODES = N_NODES * D_HID // 128
P_ACC = ACC_ROWS * D_HID // 128
X_COLS = 8 * D_IN
W2_COLS = 8 * D_OUT


def _tc1a_body(x_ref, w1k_ref, h_ref):
    h_ref[...] = jnp.dot(x_ref[...], w1k_ref[...],
                         preferred_element_type=jnp.float32)


def _tc1a(xp, w1k):
    return pl.pallas_call(
        _tc1a_body,
        in_specs=[
            pl.BlockSpec((P_NODES, X_COLS), lambda: (0, 0)),
            pl.BlockSpec((X_COLS, 128), lambda: (0, 0)),
        ],
        out_specs=pl.BlockSpec((P_NODES, 128), lambda: (0, 0)),
        out_shape=jax.ShapeDtypeStruct((P_NODES, 128), jnp.float32),
    )(xp, w1k)


def _tc1b_body(h_ref, degp_ref, g1_ref, dinv_ref):
    deg = degp_ref[0, :P_NODES] + degp_ref[1, :P_NODES] + 1.0
    dinv = lax.rsqrt(deg)
    g1_ref[...] = h_ref[...] * dinv
    dinv_ref[...] = dinv


def _tc1b(h, degp):
    return pl.pallas_call(
        _tc1b_body,
        in_specs=[
            pl.BlockSpec((P_NODES, 128), lambda: (0, 0)),
            pl.BlockSpec((NC, P_ACC, 128), lambda: (0, 0, 0)),
        ],
        out_specs=[
            pl.BlockSpec((P_NODES, 128), lambda: (0, 0)),
            pl.BlockSpec((P_NODES, 128), lambda: (0, 0)),
        ],
        out_shape=[
            jax.ShapeDtypeStruct((P_NODES, 128), jnp.float32),
            jax.ShapeDtypeStruct((P_NODES, 128), jnp.float32),
        ],
    )(h, degp)


def _tc2_body(aggp_ref, g1_ref, dinv_ref, b1_ref, g2_ref):
    s = aggp_ref[0, :P_NODES] + aggp_ref[1, :P_NODES] + g1_ref[...]
    out1 = jnp.maximum(dinv_ref[...] * s + b1_ref[...], 0.0)
    g2_ref[...] = out1 * dinv_ref[...]


def _tc2(aggp, g1, dinv, b1t):
    return pl.pallas_call(
        _tc2_body,
        in_specs=[
            pl.BlockSpec((NC, P_ACC, 128), lambda: (0, 0, 0)),
            pl.BlockSpec((P_NODES, 128), lambda: (0, 0)),
            pl.BlockSpec((P_NODES, 128), lambda: (0, 0)),
            pl.BlockSpec((1, 128), lambda: (0, 0)),
        ],
        out_specs=pl.BlockSpec((P_NODES, 128), lambda: (0, 0)),
        out_shape=jax.ShapeDtypeStruct((P_NODES, 128), jnp.float32),
    )(aggp, g1, dinv, b1t)


def _tc3_body(aggp_ref, g2_ref, dinv_ref, w2k_ref, b2_ref, out_ref):
    s = dinv_ref[...] * (
        aggp_ref[0, :P_NODES] + aggp_ref[1, :P_NODES] + g2_ref[...])
    out_ref[...] = (
        jnp.dot(s, w2k_ref[...], preferred_element_type=jnp.float32)
        + b2_ref[...]
    )


def _tc3(aggp, g2, dinv, w2k, b2t):
    return pl.pallas_call(
        _tc3_body,
        in_specs=[
            pl.BlockSpec((NC, P_ACC, 128), lambda: (0, 0, 0)),
            pl.BlockSpec((P_NODES, 128), lambda: (0, 0)),
            pl.BlockSpec((P_NODES, 128), lambda: (0, 0)),
            pl.BlockSpec((128, W2_COLS), lambda: (0, 0)),
            pl.BlockSpec((1, W2_COLS), lambda: (0, 0)),
        ],
        out_specs=pl.BlockSpec((P_NODES, W2_COLS), lambda: (0, 0)),
        out_shape=jax.ShapeDtypeStruct((P_NODES, W2_COLS), jnp.float32),
    )(aggp, g2, dinv, w2k, b2t)


def kernel(x, edge_index, W1, b1, W2, b2):
    ei3 = edge_index.astype(jnp.int32).reshape(2, N_CHUNKS, CHUNK)

    ones16 = jnp.ones((CHUNK, 16), jnp.float32)
    zeros16 = jnp.zeros((ACC_ROWS, 16), jnp.float32)

    eye8 = jnp.eye(8, dtype=jnp.float32)
    w1k = jnp.kron(eye8, W1)
    w2k = jnp.kron(eye8, W2)
    b1t = jnp.tile(b1, 8).reshape(1, 128)
    b2t = jnp.tile(b2, 8).reshape(1, W2_COLS)

    degp = _sc_degree(ei3, ones16, zeros16)
    degp_p = degp.reshape(NC, P_ACC, 128)

    xp = x.reshape(P_NODES, X_COLS)
    h1 = _tc1a(xp, w1k)
    g1, dinv = _tc1b(h1, degp_p)

    g1u = g1.reshape(N_NODES, D_HID)
    agg1 = _sc_agg(g1u, ei3, zeros16)
    g2 = _tc2(agg1.reshape(NC, P_ACC, 128), g1, dinv, b1t)

    g2u = g2.reshape(N_NODES, D_HID)
    agg2 = _sc_agg(g2u, ei3, zeros16)
    outp = _tc3(agg2.reshape(NC, P_ACC, 128), g2, dinv, w2k, b2t)

    return outp.reshape(N_NODES, D_OUT)

# --- scband reference (transcript-rebuilt; emitter-appended) ---
"""Pipeline reference for scband-model-41059887350377 (READ-ONLY COPY).

The authoritative reference and input builder live on the scoring server;
editing this copy changes nothing except your own understanding.
"""

import jax, jax.numpy as jnp
import numpy as np

N_NODES = 10000
N_EDGES = 320000
D_IN = 128
D_HID = 16
D_OUT = 40


def setup_inputs(seed: int = 0) -> dict:
    key = jax.random.key(seed)
    k1, k2, k3, k4, k5, k6 = jax.random.split(key, 6)
    x = jax.random.normal(k1, (N_NODES, D_IN), dtype=jnp.float32)
    edge_index = jax.random.randint(k2, (2, N_EDGES), 0, N_NODES, dtype=jnp.int64)
    # Glorot-style init for GCN weights
    s1 = float(np.sqrt(6.0 / (D_IN + D_HID)))
    s2 = float(np.sqrt(6.0 / (D_HID + D_OUT)))
    W1 = jax.random.uniform(k3, (D_IN, D_HID), dtype=jnp.float32, minval=-s1, maxval=s1)
    b1 = jnp.zeros((D_HID,), dtype=jnp.float32)
    W2 = jax.random.uniform(k4, (D_HID, D_OUT), dtype=jnp.float32, minval=-s2, maxval=s2)
    b2 = jnp.zeros((D_OUT,), dtype=jnp.float32)
    return {"x": x, "edge_index": edge_index, "W1": W1, "b1": b1, "W2": W2, "b2": b2}


def _gcn_layer(x, src, dst, W, b, num_nodes):
    # GCN: D^{-1/2} (A + I) D^{-1/2} X W + b  (self-loops included)
    loop = jnp.arange(num_nodes, dtype=src.dtype)
    src_sl = jnp.concatenate([src, loop])
    dst_sl = jnp.concatenate([dst, loop])
    ones = jnp.ones(src_sl.shape[0], dtype=jnp.float32)
    deg = jnp.zeros((num_nodes,), dtype=jnp.float32).at[dst_sl].add(ones)
    deg_inv_sqrt = jnp.where(deg > 0, 1.0 / jnp.sqrt(deg), 0.0)
    norm = deg_inv_sqrt[src_sl] * deg_inv_sqrt[dst_sl]
    h = x @ W
    msg = h[src_sl] * norm[:, None]
    out = jnp.zeros((num_nodes, W.shape[1]), dtype=jnp.float32).at[dst_sl].add(msg)
    return out + b


def reference(x, edge_index, W1, b1, W2, b2):
    num_nodes = x.shape[0]
    src = edge_index[0]
    dst = edge_index[1]
    h = _gcn_layer(x, src, dst, W1, b1, num_nodes)
    h = jax.nn.relu(h)
    out = _gcn_layer(h, src, dst, W2, b2, num_nodes)
    return out

if __name__ == "__main__":
    import jax
    _d = setup_inputs()
    print(jax.jit(kernel)(*tuple(_d.values())))

</pallas_src>

<mosaic_0001>
#map = affine_map<(d0, d1) -> (0, 0)>
#map1 = affine_map<(d0, d1) -> (0, 0, 0)>
module attributes {stable_mosaic.version = 14 : i64} {
  func.func @_sc_agg(%arg0: i32, %arg1: i32, %arg2: memref<10000x16xf32, #tpu.memory_space<hbm>>, %arg3: memref<2x2500x128xi32, #tpu.memory_space<hbm>>, %arg4: memref<10112x16xf32, #tpu.memory_space<hbm>>, %arg5: memref<2x10112x16xf32, #tpu.memory_space<hbm>>, %arg6: memref<96x128xi32, #tpu.memory_space<vmem>>, %arg7: memref<96x128xi32, #tpu.memory_space<vmem>>, %arg8: memref<24x128x16xf32, #tpu.memory_space<vmem>>, %arg9: memref<!tpu.dma_semaphore, #tpu.memory_space<semaphore_mem>>, %arg10: memref<!tpu.dma_semaphore, #tpu.memory_space<semaphore_mem>>, %arg11: memref<10112x16xf32, #tpu.memory_space<vmem_shared>>) attributes {dimension_semantics = [#tpu.dimension_semantics<core_parallel>, #tpu.dimension_semantics<subcore_parallel>], iteration_bounds = array<i64: 2, 16>, scalar_prefetch = 0 : i64, scratch_operands = 6 : i64, tpu.core_type = #tpu.core_type<sc_vector_subcore>, window_params = [{transform_indices = #map}, {transform_indices = #map1}, {transform_indices = #map}, {transform_indices = #map1}]} {
    %mul3A = arith.constant 2500 : i32
    %mul3A_0 = arith.muli %arg1, %mul3A : i32
    %jit3A = arith.constant 16 : i32
    %div3A = arith.divsi %mul3A_0, %jit3A : i32
    %sign3A = arith.constant 0 : i32
    %sign3A_1 = arith.cmpi sgt, %mul3A_0, %sign3A : i32
    %sign3A_2 = arith.extui %sign3A_1 : i1 to i32
    %sign3A_3 = arith.constant 0 : i32
    %sign3A_4 = arith.cmpi slt, %mul3A_0, %sign3A_3 : i32
    %sign3A_5 = arith.extui %sign3A_4 : i1 to i32
    %sign3A_6 = arith.subi %sign3A_2, %sign3A_5 : i32
    %sign3A_7 = arith.constant 0 : i32
    %sign3A_8 = arith.cmpi sgt, %jit3A, %sign3A_7 : i32
    %sign3A_9 = arith.extui %sign3A_8 : i1 to i32
    %sign3A_10 = arith.constant 0 : i32
    %sign3A_11 = arith.cmpi slt, %jit3A, %sign3A_10 : i32
    %sign3A_12 = arith.extui %sign3A_11 : i1 to i32
    %sign3A_13 = arith.subi %sign3A_9, %sign3A_12 : i32
    %ne3A = arith.cmpi ne, %sign3A_6, %sign3A_13 : i32
    %rem3A = arith.remsi %mul3A_0, %jit3A : i32
    %ne3A_14 = arith.constant 0 : i32
    %ne3A_15 = arith.cmpi ne, %rem3A, %ne3A_14 : i32
    %and3A = arith.andi %ne3A, %ne3A_15 : i1
    %sub3A = arith.constant 1 : i32
    %sub3A_16 = arith.subi %div3A, %sub3A : i32
    %select_n3A = arith.select %and3A, %sub3A_16, %div3A : i32
    %add3A = arith.constant 1 : i32
    %add3A_17 = arith.addi %arg1, %add3A : i32
    %mul3A_18 = arith.constant 2500 : i32
    %mul3A_19 = arith.muli %add3A_17, %mul3A_18 : i32
    %jit3A_20 = arith.constant 16 : i32
    %div3A_21 = arith.divsi %mul3A_19, %jit3A_20 : i32
    %sign3A_22 = arith.constant 0 : i32
    %sign3A_23 = arith.cmpi sgt, %mul3A_19, %sign3A_22 : i32
    %sign3A_24 = arith.extui %sign3A_23 : i1 to i32
    %sign3A_25 = arith.constant 0 : i32
    %sign3A_26 = arith.cmpi slt, %mul3A_19, %sign3A_25 : i32
    %sign3A_27 = arith.extui %sign3A_26 : i1 to i32
    %sign3A_28 = arith.subi %sign3A_24, %sign3A_27 : i32
    %sign3A_29 = arith.constant 0 : i32
    %sign3A_30 = arith.cmpi sgt, %jit3A_20, %sign3A_29 : i32
    %sign3A_31 = arith.extui %sign3A_30 : i1 to i32
    %sign3A_32 = arith.constant 0 : i32
    %sign3A_33 = arith.cmpi slt, %jit3A_20, %sign3A_32 : i32
    %sign3A_34 = arith.extui %sign3A_33 : i1 to i32
    %sign3A_35 = arith.subi %sign3A_31, %sign3A_34 : i32
    %ne3A_36 = arith.cmpi ne, %sign3A_28, %sign3A_35 : i32
    %rem3A_37 = arith.remsi %mul3A_19, %jit3A_20 : i32
    %ne3A_38 = arith.constant 0 : i32
    %ne3A_39 = arith.cmpi ne, %rem3A_37, %ne3A_38 : i32
    %and3A_40 = arith.andi %ne3A_36, %ne3A_39 : i1
    %sub3A_41 = arith.constant 1 : i32
    %sub3A_42 = arith.subi %div3A_21, %sub3A_41 : i32
    %select_n3A_43 = arith.select %and3A_40, %sub3A_42, %div3A_21 : i32
    %sub3A_44 = arith.subi %select_n3A_43, %select_n3A : i32
    %mul3A_45 = arith.constant 13 : i32
    %mul3A_46 = arith.muli %sub3A_44, %mul3A_45 : i32
    %jit3A_47 = arith.constant 25 : i32
    %div3A_48 = arith.divsi %mul3A_46, %jit3A_47 : i32
    %sign3A_49 = arith.constant 0 : i32
    %sign3A_50 = arith.cmpi sgt, %mul3A_46, %sign3A_49 : i32
    %sign3A_51 = arith.extui %sign3A_50 : i1 to i32
    %sign3A_52 = arith.constant 0 : i32
    %sign3A_53 = arith.cmpi slt, %mul3A_46, %sign3A_52 : i32
    %sign3A_54 = arith.extui %sign3A_53 : i1 to i32
    %sign3A_55 = arith.subi %sign3A_51, %sign3A_54 : i32
    %sign3A_56 = arith.constant 0 : i32
    %sign3A_57 = arith.cmpi sgt, %jit3A_47, %sign3A_56 : i32
    %sign3A_58 = arith.extui %sign3A_57 : i1 to i32
    %sign3A_59 = arith.constant 0 : i32
    %sign3A_60 = arith.cmpi slt, %jit3A_47, %sign3A_59 : i32
    %sign3A_61 = arith.extui %sign3A_60 : i1 to i32
    %sign3A_62 = arith.subi %sign3A_58, %sign3A_61 : i32
    %ne3A_63 = arith.cmpi ne, %sign3A_55, %sign3A_62 : i32
    %rem3A_64 = arith.remsi %mul3A_46, %jit3A_47 : i32
    %ne3A_65 = arith.constant 0 : i32
    %ne3A_66 = arith.cmpi ne, %rem3A_64, %ne3A_65 : i32
    %and3A_67 = arith.andi %ne3A_63, %ne3A_66 : i1
    %sub3A_68 = arith.constant 1 : i32
    %sub3A_69 = arith.subi %div3A_48, %sub3A_68 : i32
    %select_n3A_70 = arith.select %and3A_67, %sub3A_69, %div3A_48 : i32
    %mul3A_71 = arith.muli %arg0, %select_n3A_70 : i32
    %add3A_72 = arith.addi %select_n3A, %mul3A_71 : i32
    %eq3A = arith.constant 0 : i32
    %eq3A_73 = arith.cmpi eq, %arg0, %eq3A : i32
    %sub3A_74 = arith.subi %sub3A_44, %select_n3A_70 : i32
    %select_n3A_75 = arith.select %eq3A_73, %select_n3A_70, %sub3A_74 : i32
    %min3A = arith.constant 2404 : i32
    %min3A_76 = arith.minsi %add3A_72, %min3A : i32
    %sub3A_77 = arith.subi %add3A_72, %min3A_76 : i32
    %mul3A_78 = arith.constant 632 : i32
    %mul3A_79 = arith.muli %arg1, %mul3A_78 : i32
    "tpu.region"() ({
      %run_scoped3A_115 = tpu.sem_alloc : memref<!tpu.dma_semaphore, #tpu.memory_space<semaphore_mem>>
      %dma_start3A = arith.constant 0 : i32
      %dma_start3A_116 = tpu.memref_slice %arg11[%mul3A_79, %dma_start3A] : memref<10112x16xf32, #tpu.memory_space<vmem_shared>> -> memref<632x16xf32, #tpu.memory_space<vmem_shared>>
      %dma_start3A_117 = arith.constant 0 : i32
      %dma_start3A_118 = tpu.memref_slice %arg4[%mul3A_79, %dma_start3A_117] : memref<10112x16xf32, #tpu.memory_space<hbm>> -> memref<632x16xf32, #tpu.memory_space<hbm>>
      tpu.enqueue_dma source(%dma_start3A_118 : memref<632x16xf32, #tpu.memory_space<hbm>>) target(%dma_start3A_116 : memref<632x16xf32, #tpu.memory_space<vmem_shared>>) target_semaphore(%run_scoped3A_115 : memref<!tpu.dma_semaphore, #tpu.memory_space<semaphore_mem>>)
      %dma_wait3A = arith.constant 0 : i32
      %dma_wait3A_119 = tpu.memref_slice %arg11[%mul3A_79, %dma_wait3A] : memref<10112x16xf32, #tpu.memory_space<vmem_shared>> -> memref<632x16xf32, #tpu.memory_space<vmem_shared>>
      %dma_wait3A_120 = arith.constant 0 : i32
      %dma_wait3A_121 = tpu.memref_slice %arg4[%mul3A_79, %dma_wait3A_120] : memref<10112x16xf32, #tpu.memory_space<hbm>> -> memref<632x16xf32, #tpu.memory_space<hbm>>
      tpu.wait_dma2 semaphore(%run_scoped3A_115 : memref<!tpu.dma_semaphore, #tpu.memory_space<semaphore_mem>>) src(%dma_wait3A_121 : memref<632x16xf32, #tpu.memory_space<hbm>>) dst(%dma_wait3A_119 : memref<632x16xf32, #tpu.memory_space<vmem_shared>>)
      tpu.yield
    }) : () -> ()
    %run_scoped3A = arith.constant 0 : i32
    "tpu.region"() ({
      %run_scoped3A_115 = tpu.sem_alloc : memref<!tpu.dma_semaphore, #tpu.memory_space<semaphore_mem>>
      %dma_start3A = arith.constant 0 : i32
      %dma_start3A_116 = tpu.memref_slice %arg3[%run_scoped3A, %min3A_76, %dma_start3A] : memref<2x2500x128xi32, #tpu.memory_space<hbm>> -> memref<1x96x128xi32, #tpu.memory_space<hbm>>
      %dma_start3A_117 = tpu.memref_squeeze %dma_start3A_116 : memref<1x96x128xi32, #tpu.memory_space<hbm>> -> memref<96x128xi32, #tpu.memory_space<hbm>>
      %dma_start3A_118 = arith.constant 0 : i32
      %dma_start3A_119 = tpu.memref_slice %arg3[%run_scoped3A, %min3A_76, %dma_start3A_118] : memref<2x2500x128xi32, #tpu.memory_space<hbm>> -> memref<1x96x128xi32, #tpu.memory_space<hbm>>
      %dma_start3A_120 = tpu.memref_squeeze %dma_start3A_119 : memref<1x96x128xi32, #tpu.memory_space<hbm>> -> memref<96x128xi32, #tpu.memory_space<hbm>>
      tpu.enqueue_dma source(%dma_start3A_120 : memref<96x128xi32, #tpu.memory_space<hbm>>) target(%arg6 : memref<96x128xi32, #tpu.memory_space<vmem>>) target_semaphore(%run_scoped3A_115 : memref<!tpu.dma_semaphore, #tpu.memory_space<semaphore_mem>>)
      %dma_wait3A = arith.constant 0 : i32
      %dma_wait3A_121 = tpu.memref_slice %arg3[%run_scoped3A, %min3A_76, %dma_wait3A] : memref<2x2500x128xi32, #tpu.memory_space<hbm>> -> memref<1x96x128xi32, #tpu.memory_space<hbm>>
      %dma_wait3A_122 = tpu.memref_squeeze %dma_wait3A_121 : memref<1x96x128xi32, #tpu.memory_space<hbm>> -> memref<96x128xi32, #tpu.memory_space<hbm>>
      %dma_wait3A_123 = arith.constant 0 : i32
      %dma_wait3A_124 = tpu.memref_slice %arg3[%run_scoped3A, %min3A_76, %dma_wait3A_123] : memref<2x2500x128xi32, #tpu.memory_space<hbm>> -> memref<1x96x128xi32, #tpu.memory_space<hbm>>
      %dma_wait3A_125 = tpu.memref_squeeze %dma_wait3A_124 : memref<1x96x128xi32, #tpu.memory_space<hbm>> -> memref<96x128xi32, #tpu.memory_space<hbm>>
      tpu.wait_dma2 semaphore(%run_scoped3A_115 : memref<!tpu.dma_semaphore, #tpu.memory_space<semaphore_mem>>) src(%dma_wait3A_125 : memref<96x128xi32, #tpu.memory_space<hbm>>) dst(%arg6 : memref<96x128xi32, #tpu.memory_space<vmem>>)
      tpu.yield
    }) : () -> ()
    %run_scoped3A_80 = arith.constant 1 : i32
    "tpu.region"() ({
      %run_scoped3A_115 = tpu.sem_alloc : memref<!tpu.dma_semaphore, #tpu.memory_space<semaphore_mem>>
      %dma_start3A = arith.constant 0 : i32
      %dma_start3A_116 = tpu.memref_slice %arg3[%run_scoped3A_80, %min3A_76, %dma_start3A] : memref<2x2500x128xi32, #tpu.memory_space<hbm>> -> memref<1x96x128xi32, #tpu.memory_space<hbm>>
      %dma_start3A_117 = tpu.memref_squeeze %dma_start3A_116 : memref<1x96x128xi32, #tpu.memory_space<hbm>> -> memref<96x128xi32, #tpu.memory_space<hbm>>
      %dma_start3A_118 = arith.constant 0 : i32
      %dma_start3A_119 = tpu.memref_slice %arg3[%run_scoped3A_80, %min3A_76, %dma_start3A_118] : memref<2x2500x128xi32, #tpu.memory_space<hbm>> -> memref<1x96x128xi32, #tpu.memory_space<hbm>>
      %dma_start3A_120 = tpu.memref_squeeze %dma_start3A_119 : memref<1x96x128xi32, #tpu.memory_space<hbm>> -> memref<96x128xi32, #tpu.memory_space<hbm>>
      tpu.enqueue_dma source(%dma_start3A_120 : memref<96x128xi32, #tpu.memory_space<hbm>>) target(%arg7 : memref<96x128xi32, #tpu.memory_space<vmem>>) target_semaphore(%run_scoped3A_115 : memref<!tpu.dma_semaphore, #tpu.memory_space<semaphore_mem>>)
      %dma_wait3A = arith.constant 0 : i32
      %dma_wait3A_121 = tpu.memref_slice %arg3[%run_scoped3A_80, %min3A_76, %dma_wait3A] : memref<2x2500x128xi32, #tpu.memory_space<hbm>> -> memref<1x96x128xi32, #tpu.memory_space<hbm>>
      %dma_wait3A_122 = tpu.memref_squeeze %dma_wait3A_121 : memref<1x96x128xi32, #tpu.memory_space<hbm>> -> memref<96x128xi32, #tpu.memory_space<hbm>>
      %dma_wait3A_123 = arith.constant 0 : i32
      %dma_wait3A_124 = tpu.memref_slice %arg3[%run_scoped3A_80, %min3A_76, %dma_wait3A_123] : memref<2x2500x128xi32, #tpu.memory_space<hbm>> -> memref<1x96x128xi32, #tpu.memory_space<hbm>>
      %dma_wait3A_125 = tpu.memref_squeeze %dma_wait3A_124 : memref<1x96x128xi32, #tpu.memory_space<hbm>> -> memref<96x128xi32, #tpu.memory_space<hbm>>
      tpu.wait_dma2 semaphore(%run_scoped3A_115 : memref<!tpu.dma_semaphore, #tpu.memory_space<semaphore_mem>>) src(%dma_wait3A_125 : memref<96x128xi32, #tpu.memory_space<hbm>>) dst(%arg7 : memref<96x128xi32, #tpu.memory_space<vmem>>)
      tpu.yield
    }) : () -> ()
    %barrier3A = arith.constant 0 : index
    tpu.barrier barrier_id(%barrier3A)
    %min3A_81 = arith.constant 12 : i32
    %min3A_82 = arith.minsi %min3A_81, %select_n3A_75 : i32
    %while3A = arith.constant 0 : i32
    %while3A_83 = arith.constant 0 : i32
    %while3A_84 = arith.subi %min3A_82, %while3A_83 : i32
    %while3A_85 = arith.addi %while3A_83, %while3A_84 : i32
    %while3A_86 = arith.constant 1 : i32
    %while3A_87 = arith.divsi %while3A_84, %while3A_86 : i32
    %while3A_88 = arith.muli %while3A_87, %while3A_86 : i32
    %while3A_89 = arith.addi %while3A_83, %while3A_88 : i32
    %while3A_90 = arith.constant 1 : i32
    scf.for %while3A_115 = %while3A_83 to %while3A_89 step %while3A_90  : i32 {
      %add3A_116 = arith.addi %sub3A_77, %while3A_115 : i32
      %dma_start3A = arith.constant 0 : i32
      %dma_start3A_117 = arith.constant 0 : i32
      %dma_start3A_118 = tpu.memref_slice %arg8[%while3A_115, %dma_start3A, %dma_start3A_117] : memref<24x128x16xf32, #tpu.memory_space<vmem>> -> memref<1x128x16xf32, #tpu.memory_space<vmem>>
      %dma_start3A_119 = tpu.memref_squeeze %dma_start3A_118 : memref<1x128x16xf32, #tpu.memory_space<vmem>> -> memref<128x16xf32, #tpu.memory_space<vmem>>
      %dma_start3A_120 = arith.constant 0 : i32
      %dma_start3A_121 = tpu.memref_slice %arg6[%add3A_116, %dma_start3A_120] : memref<96x128xi32, #tpu.memory_space<vmem>> -> memref<1x128xi32, #tpu.memory_space<vmem>>
      %dma_start3A_122 = tpu.memref_squeeze %dma_start3A_121 : memref<1x128xi32, #tpu.memory_space<vmem>> -> memref<128xi32, #tpu.memory_space<vmem>>
      %dma_start3A_123 = arith.constant 0 : i32
      %dma_start3A_124 = arith.constant 0 : i32
      %dma_start3A_125 = tpu.memref_slice %arg2[%dma_start3A_123, %dma_start3A_124] : memref<10000x16xf32, #tpu.memory_space<hbm>> -> memref<10000x16xf32, #tpu.memory_space<hbm>>
      tpu.enqueue_indirect_dma source(%dma_start3A_125 : memref<10000x16xf32, #tpu.memory_space<hbm>>) target(%dma_start3A_119 : memref<128x16xf32, #tpu.memory_space<vmem>>) offsets(%dma_start3A_122 : memref<128xi32, #tpu.memory_space<vmem>>) semaphore(%arg9 : memref<!tpu.dma_semaphore, #tpu.memory_space<semaphore_mem>>)
    }
    %while3A_91 = arith.constant 1 : i32
    scf.for %while3A_115 = %while3A_89 to %while3A_85 step %while3A_91  : i32 {
      %add3A_116 = arith.addi %sub3A_77, %while3A_115 : i32
      %dma_start3A = arith.constant 0 : i32
      %dma_start3A_117 = arith.constant 0 : i32
      %dma_start3A_118 = tpu.memref_slice %arg8[%while3A_115, %dma_start3A, %dma_start3A_117] : memref<24x128x16xf32, #tpu.memory_space<vmem>> -> memref<1x128x16xf32, #tpu.memory_space<vmem>>
      %dma_start3A_119 = tpu.memref_squeeze %dma_start3A_118 : memref<1x128x16xf32, #tpu.memory_space<vmem>> -> memref<128x16xf32, #tpu.memory_space<vmem>>
      %dma_start3A_120 = arith.constant 0 : i32
      %dma_start3A_121 = tpu.memref_slice %arg6[%add3A_116, %dma_start3A_120] : memref<96x128xi32, #tpu.memory_space<vmem>> -> memref<1x128xi32, #tpu.memory_space<vmem>>
      %dma_start3A_122 = tpu.memref_squeeze %dma_start3A_121 : memref<1x128xi32, #tpu.memory_space<vmem>> -> memref<128xi32, #tpu.memory_space<vmem>>
      %dma_start3A_123 = arith.constant 0 : i32
      %dma_start3A_124 = arith.constant 0 : i32
      %dma_start3A_125 = tpu.memref_slice %arg2[%dma_start3A_123, %dma_start3A_124] : memref<10000x16xf32, #tpu.memory_space<hbm>> -> memref<10000x16xf32, #tpu.memory_space<hbm>>
      tpu.enqueue_indirect_dma source(%dma_start3A_125 : memref<10000x16xf32, #tpu.memory_space<hbm>>) target(%dma_start3A_119 : memref<128x16xf32, #tpu.memory_space<vmem>>) offsets(%dma_start3A_122 : memref<128xi32, #tpu.memory_space<vmem>>) semaphore(%arg9 : memref<!tpu.dma_semaphore, #tpu.memory_space<semaphore_mem>>)
    }
    %while3A_92 = arith.constant 0 : i32
    %while3A_93 = arith.constant 0 : i32
    %while3A_94 = arith.subi %select_n3A_75, %while3A_93 : i32
    %while3A_95 = arith.addi %while3A_93, %while3A_94 : i32
    %while3A_96 = arith.constant 1 : i32
    %while3A_97 = arith.divsi %while3A_94, %while3A_96 : i32
    %while3A_98 = arith.muli %while3A_97, %while3A_96 : i32
    %while3A_99 = arith.addi %while3A_93, %while3A_98 : i32
    %while3A_100 = arith.constant 1 : i32
    scf.for %while3A_115 = %while3A_93 to %while3A_99 step %while3A_100  : i32 {
      %rem3A_116 = arith.constant 24 : i32
      %rem3A_117 = arith.remsi %while3A_115, %rem3A_116 : i32
      %dma_wait3A = arith.constant 0 : i32
      %dma_wait3A_118 = arith.constant 0 : i32
      %dma_wait3A_119 = tpu.memref_slice %arg8[%rem3A_117, %dma_wait3A, %dma_wait3A_118] : memref<24x128x16xf32, #tpu.memory_space<vmem>> -> memref<1x128x16xf32, #tpu.memory_space<vmem>>
      %dma_wait3A_120 = tpu.memref_squeeze %dma_wait3A_119 : memref<1x128x16xf32, #tpu.memory_space<vmem>> -> memref<128x16xf32, #tpu.memory_space<vmem>>
      %dma_wait3A_121 = arith.constant 0 : i32
      %dma_wait3A_122 = arith.constant 0 : i32
      %dma_wait3A_123 = tpu.memref_slice %arg2[%dma_wait3A_121, %dma_wait3A_122] : memref<10000x16xf32, #tpu.memory_space<hbm>> -> memref<128x16xf32, #tpu.memory_space<hbm>>
      %dma_wait3A_124 = arith.constant 0 : i32
      %dma_wait3A_125 = arith.constant 0 : i32
      %dma_wait3A_126 = tpu.memref_slice %arg8[%rem3A_117, %dma_wait3A_124, %dma_wait3A_125] : memref<24x128x16xf32, #tpu.memory_space<vmem>> -> memref<1x128x16xf32, #tpu.memory_space<vmem>>
      %dma_wait3A_127 = tpu.memref_squeeze %dma_wait3A_126 : memref<1x128x16xf32, #tpu.memory_space<vmem>> -> memref<128x16xf32, #tpu.memory_space<vmem>>
      %dma_wait3A_128 = arith.constant 0 : i32
      %dma_wait3A_129 = arith.constant 0 : i32
      %dma_wait3A_130 = tpu.memref_slice %arg2[%dma_wait3A_128, %dma_wait3A_129] : memref<10000x16xf32, #tpu.memory_space<hbm>> -> memref<128x16xf32, #tpu.memory_space<hbm>>
      tpu.wait_dma2 semaphore(%arg9 : memref<!tpu.dma_semaphore, #tpu.memory_space<semaphore_mem>>) src(%dma_wait3A_130 : memref<128x16xf32, #tpu.memory_space<hbm>>) dst(%dma_wait3A_127 : memref<128x16xf32, #tpu.memory_space<vmem>>)
      %add3A_131 = arith.addi %sub3A_77, %while3A_115 : i32
      %dma_start3A = arith.constant 0 : i32
      %dma_start3A_132 = arith.constant 0 : i32
      %dma_start3A_133 = tpu.memref_slice %arg8[%rem3A_117, %dma_start3A, %dma_start3A_132] : memref<24x128x16xf32, #tpu.memory_space<vmem>> -> memref<1x128x16xf32, #tpu.memory_space<vmem>>
      %dma_start3A_134 = tpu.memref_squeeze %dma_start3A_133 : memref<1x128x16xf32, #tpu.memory_space<vmem>> -> memref<128x16xf32, #tpu.memory_space<vmem>>
      %dma_start3A_135 = arith.constant 0 : i32
      %dma_start3A_136 = tpu.memref_slice %arg7[%add3A_131, %dma_start3A_135] : memref<96x128xi32, #tpu.memory_space<vmem>> -> memref<1x128xi32, #tpu.memory_space<vmem>>
      %dma_start3A_137 = tpu.memref_squeeze %dma_start3A_136 : memref<1x128xi32, #tpu.memory_space<vmem>> -> memref<128xi32, #tpu.memory_space<vmem>>
      %dma_start3A_138 = arith.constant 0 : i32
      %dma_start3A_139 = arith.constant 0 : i32
      %dma_start3A_140 = tpu.memref_slice %arg11[%dma_start3A_138, %dma_start3A_139] : memref<10112x16xf32, #tpu.memory_space<vmem_shared>> -> memref<10112x16xf32, #tpu.memory_space<vmem_shared>>
      tpu.enqueue_indirect_dma source(%dma_start3A_134 : memref<128x16xf32, #tpu.memory_space<vmem>>) target(%dma_start3A_140 : memref<10112x16xf32, #tpu.memory_space<vmem_shared>>) offsets(%dma_start3A_137 : memref<128xi32, #tpu.memory_space<vmem>>) semaphore(%arg10 : memref<!tpu.dma_semaphore, #tpu.memory_space<semaphore_mem>>) {add = true}
      %ge3A = arith.constant 12 : i32
      %ge3A_141 = arith.cmpi sge, %while3A_115, %ge3A : i32
      %convert_element_type3A = arith.extui %ge3A_141 : i1 to i32
      %cond3A = arith.constant 0 : i32
      %cond3A_142 = arith.cmpi ne, %convert_element_type3A, %cond3A : i32
      scf.if %cond3A_142 {
        %dma_wait3A_148 = arith.constant 0 : i32
        %dma_wait3A_149 = arith.constant 0 : i32
        %dma_wait3A_150 = tpu.memref_slice %arg8[%rem3A_117, %dma_wait3A_148, %dma_wait3A_149] : memref<24x128x16xf32, #tpu.memory_space<vmem>> -> memref<1x128x16xf32, #tpu.memory_space<vmem>>
        %dma_wait3A_151 = tpu.memref_squeeze %dma_wait3A_150 : memref<1x128x16xf32, #tpu.memory_space<vmem>> -> memref<128x16xf32, #tpu.memory_space<vmem>>
        %dma_wait3A_152 = arith.constant 0 : i32
        %dma_wait3A_153 = arith.constant 0 : i32
        %dma_wait3A_154 = tpu.memref_slice %arg2[%dma_wait3A_152, %dma_wait3A_153] : memref<10000x16xf32, #tpu.memory_space<hbm>> -> memref<128x16xf32, #tpu.memory_space<hbm>>
        %dma_wait3A_155 = arith.constant 0 : i32
        %dma_wait3A_156 = arith.constant 0 : i32
        %dma_wait3A_157 = tpu.memref_slice %arg8[%rem3A_117, %dma_wait3A_155, %dma_wait3A_156] : memref<24x128x16xf32, #tpu.memory_space<vmem>> -> memref<1x128x16xf32, #tpu.memory_space<vmem>>
        %dma_wait3A_158 = tpu.memref_squeeze %dma_wait3A_157 : memref<1x128x16xf32, #tpu.memory_space<vmem>> -> memref<128x16xf32, #tpu.memory_space<vmem>>
        %dma_wait3A_159 = arith.constant 0 : i32
        %dma_wait3A_160 = arith.constant 0 : i32
        %dma_wait3A_161 = tpu.memref_slice %arg2[%dma_wait3A_159, %dma_wait3A_160] : memref<10000x16xf32, #tpu.memory_space<hbm>> -> memref<128x16xf32, #tpu.memory_space<hbm>>
        tpu.wait_dma2 semaphore(%arg10 : memref<!tpu.dma_semaphore, #tpu.memory_space<semaphore_mem>>) src(%dma_wait3A_161 : memref<128x16xf32, #tpu.memory_space<hbm>>) dst(%dma_wait3A_158 : memref<128x16xf32, #tpu.memory_space<vmem>>)
      } else {
      }
      %add3A_143 = arith.constant 12 : i32
      %add3A_144 = arith.addi %while3A_115, %add3A_143 : i32
      %lt3A = arith.cmpi slt, %add3A_144, %select_n3A_75 : i32
      %convert_element_type3A_145 = arith.extui %lt3A : i1 to i32
      %cond3A_146 = arith.constant 0 : i32
      %cond3A_147 = arith.cmpi ne, %convert_element_type3A_145, %cond3A_146 : i32
      scf.if %cond3A_147 {
        %add3A_148 = arith.addi %sub3A_77, %while3A_115 : i32
        %add3A_149 = arith.constant 12 : i32
        %add3A_150 = arith.addi %add3A_148, %add3A_149 : i32
        %add3A_151 = arith.constant 12 : i32
        %add3A_152 = arith.addi %while3A_115, %add3A_151 : i32
        %rem3A_153 = arith.constant 24 : i32
        %rem3A_154 = arith.remsi %add3A_152, %rem3A_153 : i32
        %dma_start3A_155 = arith.constant 0 : i32
        %dma_start3A_156 = arith.constant 0 : i32
        %dma_start3A_157 = tpu.memref_slice %arg8[%rem3A_154, %dma_start3A_155, %dma_start3A_156] : memref<24x128x16xf32, #tpu.memory_space<vmem>> -> memref<1x128x16xf32, #tpu.memory_space<vmem>>
        %dma_start3A_158 = tpu.memref_squeeze %dma_start3A_157 : memref<1x128x16xf32, #tpu.memory_space<vmem>> -> memref<128x16xf32, #tpu.memory_space<vmem>>
        %dma_start3A_159 = arith.constant 0 : i32
        %dma_start3A_160 = tpu.memref_slice %arg6[%add3A_150, %dma_start3A_159] : memref<96x128xi32, #tpu.memory_space<vmem>> -> memref<1x128xi32, #tpu.memory_space<vmem>>
        %dma_start3A_161 = tpu.memref_squeeze %dma_start3A_160 : memref<1x128xi32, #tpu.memory_space<vmem>> -> memref<128xi32, #tpu.memory_space<vmem>>
        %dma_start3A_162 = arith.constant 0 : i32
        %dma_start3A_163 = arith.constant 0 : i32
        %dma_start3A_164 = tpu.memref_slice %arg2[%dma_start3A_162, %dma_start3A_163] : memref<10000x16xf32, #tpu.memory_space<hbm>> -> memref<10000x16xf32, #tpu.memory_space<hbm>>
        tpu.enqueue_indirect_dma source(%dma_start3A_164 : memref<10000x16xf32, #tpu.memory_space<hbm>>) target(%dma_start3A_158 : memref<128x16xf32, #tpu.memory_space<vmem>>) offsets(%dma_start3A_161 : memref<128xi32, #tpu.memory_space<vmem>>) semaphore(%arg9 : memref<!tpu.dma_semaphore, #tpu.memory_space<semaphore_mem>>)
      } else {
      }
    }
    %while3A_101 = arith.constant 1 : i32
    scf.for %while3A_115 = %while3A_99 to %while3A_95 step %while3A_101  : i32 {
      %rem3A_116 = arith.constant 24 : i32
      %rem3A_117 = arith.remsi %while3A_115, %rem3A_116 : i32
      %dma_wait3A = arith.constant 0 : i32
      %dma_wait3A_118 = arith.constant 0 : i32
      %dma_wait3A_119 = tpu.memref_slice %arg8[%rem3A_117, %dma_wait3A, %dma_wait3A_118] : memref<24x128x16xf32, #tpu.memory_space<vmem>> -> memref<1x128x16xf32, #tpu.memory_space<vmem>>
      %dma_wait3A_120 = tpu.memref_squeeze %dma_wait3A_119 : memref<1x128x16xf32, #tpu.memory_space<vmem>> -> memref<128x16xf32, #tpu.memory_space<vmem>>
      %dma_wait3A_121 = arith.constant 0 : i32
      %dma_wait3A_122 = arith.constant 0 : i32
      %dma_wait3A_123 = tpu.memref_slice %arg2[%dma_wait3A_121, %dma_wait3A_122] : memref<10000x16xf32, #tpu.memory_space<hbm>> -> memref<128x16xf32, #tpu.memory_space<hbm>>
      %dma_wait3A_124 = arith.constant 0 : i32
      %dma_wait3A_125 = arith.constant 0 : i32
      %dma_wait3A_126 = tpu.memref_slice %arg8[%rem3A_117, %dma_wait3A_124, %dma_wait3A_125] : memref<24x128x16xf32, #tpu.memory_space<vmem>> -> memref<1x128x16xf32, #tpu.memory_space<vmem>>
      %dma_wait3A_127 = tpu.memref_squeeze %dma_wait3A_126 : memref<1x128x16xf32, #tpu.memory_space<vmem>> -> memref<128x16xf32, #tpu.memory_space<vmem>>
      %dma_wait3A_128 = arith.constant 0 : i32
      %dma_wait3A_129 = arith.constant 0 : i32
      %dma_wait3A_130 = tpu.memref_slice %arg2[%dma_wait3A_128, %dma_wait3A_129] : memref<10000x16xf32, #tpu.memory_space<hbm>> -> memref<128x16xf32, #tpu.memory_space<hbm>>
      tpu.wait_dma2 semaphore(%arg9 : memref<!tpu.dma_semaphore, #tpu.memory_space<semaphore_mem>>) src(%dma_wait3A_130 : memref<128x16xf32, #tpu.memory_space<hbm>>) dst(%dma_wait3A_127 : memref<128x16xf32, #tpu.memory_space<vmem>>)
      %add3A_131 = arith.addi %sub3A_77, %while3A_115 : i32
      %dma_start3A = arith.constant 0 : i32
      %dma_start3A_132 = arith.constant 0 : i32
      %dma_start3A_133 = tpu.memref_slice %arg8[%rem3A_117, %dma_start3A, %dma_start3A_132] : memref<24x128x16xf32, #tpu.memory_space<vmem>> -> memref<1x128x16xf32, #tpu.memory_space<vmem>>
      %dma_start3A_134 = tpu.memref_squeeze %dma_start3A_133 : memref<1x128x16xf32, #tpu.memory_space<vmem>> -> memref<128x16xf32, #tpu.memory_space<vmem>>
      %dma_start3A_135 = arith.constant 0 : i32
      %dma_start3A_136 = tpu.memref_slice %arg7[%add3A_131, %dma_start3A_135] : memref<96x128xi32, #tpu.memory_space<vmem>> -> memref<1x128xi32, #tpu.memory_space<vmem>>
      %dma_start3A_137 = tpu.memref_squeeze %dma_start3A_136 : memref<1x128xi32, #tpu.memory_space<vmem>> -> memref<128xi32, #tpu.memory_space<vmem>>
      %dma_start3A_138 = arith.constant 0 : i32
      %dma_start3A_139 = arith.constant 0 : i32
      %dma_start3A_140 = tpu.memref_slice %arg11[%dma_start3A_138, %dma_start3A_139] : memref<10112x16xf32, #tpu.memory_space<vmem_shared>> -> memref<10112x16xf32, #tpu.memory_space<vmem_shared>>
      tpu.enqueue_indirect_dma source(%dma_start3A_134 : memref<128x16xf32, #tpu.memory_space<vmem>>) target(%dma_start3A_140 : memref<10112x16xf32, #tpu.memory_space<vmem_shared>>) offsets(%dma_start3A_137 : memref<128xi32, #tpu.memory_space<vmem>>) semaphore(%arg10 : memref<!tpu.dma_semaphore, #tpu.memory_space<semaphore_mem>>) {add = true}
      %ge3A = arith.constant 12 : i32
      %ge3A_141 = arith.cmpi sge, %while3A_115, %ge3A : i32
      %convert_element_type3A = arith.extui %ge3A_141 : i1 to i32
      %cond3A = arith.constant 0 : i32
      %cond3A_142 = arith.cmpi ne, %convert_element_type3A, %cond3A : i32
      scf.if %cond3A_142 {
        %dma_wait3A_148 = arith.constant 0 : i32
        %dma_wait3A_149 = arith.constant 0 : i32
        %dma_wait3A_150 = tpu.memref_slice %arg8[%rem3A_117, %dma_wait3A_148, %dma_wait3A_149] : memref<24x128x16xf32, #tpu.memory_space<vmem>> -> memref<1x128x16xf32, #tpu.memory_space<vmem>>
        %dma_wait3A_151 = tpu.memref_squeeze %dma_wait3A_150 : memref<1x128x16xf32, #tpu.memory_space<vmem>> -> memref<128x16xf32, #tpu.memory_space<vmem>>
        %dma_wait3A_152 = arith.constant 0 : i32
        %dma_wait3A_153 = arith.constant 0 : i32
        %dma_wait3A_154 = tpu.memref_slice %arg2[%dma_wait3A_152, %dma_wait3A_153] : memref<10000x16xf32, #tpu.memory_space<hbm>> -> memref<128x16xf32, #tpu.memory_space<hbm>>
        %dma_wait3A_155 = arith.constant 0 : i32
        %dma_wait3A_156 = arith.constant 0 : i32
        %dma_wait3A_157 = tpu.memref_slice %arg8[%rem3A_117, %dma_wait3A_155, %dma_wait3A_156] : memref<24x128x16xf32, #tpu.memory_space<vmem>> -> memref<1x128x16xf32, #tpu.memory_space<vmem>>
        %dma_wait3A_158 = tpu.memref_squeeze %dma_wait3A_157 : memref<1x128x16xf32, #tpu.memory_space<vmem>> -> memref<128x16xf32, #tpu.memory_space<vmem>>
        %dma_wait3A_159 = arith.constant 0 : i32
        %dma_wait3A_160 = arith.constant 0 : i32
        %dma_wait3A_161 = tpu.memref_slice %arg2[%dma_wait3A_159, %dma_wait3A_160] : memref<10000x16xf32, #tpu.memory_space<hbm>> -> memref<128x16xf32, #tpu.memory_space<hbm>>
        tpu.wait_dma2 semaphore(%arg10 : memref<!tpu.dma_semaphore, #tpu.memory_space<semaphore_mem>>) src(%dma_wait3A_161 : memref<128x16xf32, #tpu.memory_space<hbm>>) dst(%dma_wait3A_158 : memref<128x16xf32, #tpu.memory_space<vmem>>)
      } else {
      }
      %add3A_143 = arith.constant 12 : i32
      %add3A_144 = arith.addi %while3A_115, %add3A_143 : i32
      %lt3A = arith.cmpi slt, %add3A_144, %select_n3A_75 : i32
      %convert_element_type3A_145 = arith.extui %lt3A : i1 to i32
      %cond3A_146 = arith.constant 0 : i32
      %cond3A_147 = arith.cmpi ne, %convert_element_type3A_145, %cond3A_146 : i32
      scf.if %cond3A_147 {
        %add3A_148 = arith.addi %sub3A_77, %while3A_115 : i32
        %add3A_149 = arith.constant 12 : i32
        %add3A_150 = arith.addi %add3A_148, %add3A_149 : i32
        %add3A_151 = arith.constant 12 : i32
        %add3A_152 = arith.addi %while3A_115, %add3A_151 : i32
        %rem3A_153 = arith.constant 24 : i32
        %rem3A_154 = arith.remsi %add3A_152, %rem3A_153 : i32
        %dma_start3A_155 = arith.constant 0 : i32
        %dma_start3A_156 = arith.constant 0 : i32
        %dma_start3A_157 = tpu.memref_slice %arg8[%rem3A_154, %dma_start3A_155, %dma_start3A_156] : memref<24x128x16xf32, #tpu.memory_space<vmem>> -> memref<1x128x16xf32, #tpu.memory_space<vmem>>
        %dma_start3A_158 = tpu.memref_squeeze %dma_start3A_157 : memref<1x128x16xf32, #tpu.memory_space<vmem>> -> memref<128x16xf32, #tpu.memory_space<vmem>>
        %dma_start3A_159 = arith.constant 0 : i32
        %dma_start3A_160 = tpu.memref_slice %arg6[%add3A_150, %dma_start3A_159] : memref<96x128xi32, #tpu.memory_space<vmem>> -> memref<1x128xi32, #tpu.memory_space<vmem>>
        %dma_start3A_161 = tpu.memref_squeeze %dma_start3A_160 : memref<1x128xi32, #tpu.memory_space<vmem>> -> memref<128xi32, #tpu.memory_space<vmem>>
        %dma_start3A_162 = arith.constant 0 : i32
        %dma_start3A_163 = arith.constant 0 : i32
        %dma_start3A_164 = tpu.memref_slice %arg2[%dma_start3A_162, %dma_start3A_163] : memref<10000x16xf32, #tpu.memory_space<hbm>> -> memref<10000x16xf32, #tpu.memory_space<hbm>>
        tpu.enqueue_indirect_dma source(%dma_start3A_164 : memref<10000x16xf32, #tpu.memory_space<hbm>>) target(%dma_start3A_158 : memref<128x16xf32, #tpu.memory_space<vmem>>) offsets(%dma_start3A_161 : memref<128xi32, #tpu.memory_space<vmem>>) semaphore(%arg9 : memref<!tpu.dma_semaphore, #tpu.memory_space<semaphore_mem>>)
      } else {
      }
    }
    %min3A_102 = arith.constant 12 : i32
    %min3A_103 = arith.minsi %min3A_102, %select_n3A_75 : i32
    %while3A_104 = arith.constant 0 : i32
    %while3A_105 = arith.constant 0 : i32
    %while3A_106 = arith.subi %min3A_103, %while3A_105 : i32
    %while3A_107 = arith.addi %while3A_105, %while3A_106 : i32
    %while3A_108 = arith.constant 1 : i32
    %while3A_109 = arith.divsi %while3A_106, %while3A_108 : i32
    %while3A_110 = arith.muli %while3A_109, %while3A_108 : i32
    %while3A_111 = arith.addi %while3A_105, %while3A_110 : i32
    %while3A_112 = arith.constant 1 : i32
    scf.for %while3A_115 = %while3A_105 to %while3A_111 step %while3A_112  : i32 {
      %dma_wait3A = arith.constant 0 : i32
      %dma_wait3A_116 = arith.constant 0 : i32
      %dma_wait3A_117 = arith.constant 0 : i32
      %dma_wait3A_118 = tpu.memref_slice %arg8[%dma_wait3A, %dma_wait3A_116, %dma_wait3A_117] : memref<24x128x16xf32, #tpu.memory_space<vmem>> -> memref<1x128x16xf32, #tpu.memory_space<vmem>>
      %dma_wait3A_119 = tpu.memref_squeeze %dma_wait3A_118 : memref<1x128x16xf32, #tpu.memory_space<vmem>> -> memref<128x16xf32, #tpu.memory_space<vmem>>
      %dma_wait3A_120 = arith.constant 0 : i32
      %dma_wait3A_121 = arith.constant 0 : i32
      %dma_wait3A_122 = tpu.memref_slice %arg2[%dma_wait3A_120, %dma_wait3A_121] : memref<10000x16xf32, #tpu.memory_space<hbm>> -> memref<128x16xf32, #tpu.memory_space<hbm>>
      %dma_wait3A_123 = arith.constant 0 : i32
      %dma_wait3A_124 = arith.constant 0 : i32
      %dma_wait3A_125 = tpu.memref_slice %arg8[%dma_wait3A, %dma_wait3A_123, %dma_wait3A_124] : memref<24x128x16xf32, #tpu.memory_space<vmem>> -> memref<1x128x16xf32, #tpu.memory_space<vmem>>
      %dma_wait3A_126 = tpu.memref_squeeze %dma_wait3A_125 : memref<1x128x16xf32, #tpu.memory_space<vmem>> -> memref<128x16xf32, #tpu.memory_space<vmem>>
      %dma_wait3A_127 = arith.constant 0 : i32
      %dma_wait3A_128 = arith.constant 0 : i32
      %dma_wait3A_129 = tpu.memref_slice %arg2[%dma_wait3A_127, %dma_wait3A_128] : memref<10000x16xf32, #tpu.memory_space<hbm>> -> memref<128x16xf32, #tpu.memory_space<hbm>>
      tpu.wait_dma2 semaphore(%arg10 : memref<!tpu.dma_semaphore, #tpu.memory_space<semaphore_mem>>) src(%dma_wait3A_129 : memref<128x16xf32, #tpu.memory_space<hbm>>) dst(%dma_wait3A_126 : memref<128x16xf32, #tpu.memory_space<vmem>>)
    }
    %while3A_113 = arith.constant 1 : i32
    scf.for %while3A_115 = %while3A_111 to %while3A_107 step %while3A_113  : i32 {
      %dma_wait3A = arith.constant 0 : i32
      %dma_wait3A_116 = arith.constant 0 : i32
      %dma_wait3A_117 = arith.constant 0 : i32
      %dma_wait3A_118 = tpu.memref_slice %arg8[%dma_wait3A, %dma_wait3A_116, %dma_wait3A_117] : memref<24x128x16xf32, #tpu.memory_space<vmem>> -> memref<1x128x16xf32, #tpu.memory_space<vmem>>
      %dma_wait3A_119 = tpu.memref_squeeze %dma_wait3A_118 : memref<1x128x16xf32, #tpu.memory_space<vmem>> -> memref<128x16xf32, #tpu.memory_space<vmem>>
      %dma_wait3A_120 = arith.constant 0 : i32
      %dma_wait3A_121 = arith.constant 0 : i32
      %dma_wait3A_122 = tpu.memref_slice %arg2[%dma_wait3A_120, %dma_wait3A_121] : memref<10000x16xf32, #tpu.memory_space<hbm>> -> memref<128x16xf32, #tpu.memory_space<hbm>>
      %dma_wait3A_123 = arith.constant 0 : i32
      %dma_wait3A_124 = arith.constant 0 : i32
      %dma_wait3A_125 = tpu.memref_slice %arg8[%dma_wait3A, %dma_wait3A_123, %dma_wait3A_124] : memref<24x128x16xf32, #tpu.memory_space<vmem>> -> memref<1x128x16xf32, #tpu.memory_space<vmem>>
      %dma_wait3A_126 = tpu.memref_squeeze %dma_wait3A_125 : memref<1x128x16xf32, #tpu.memory_space<vmem>> -> memref<128x16xf32, #tpu.memory_space<vmem>>
      %dma_wait3A_127 = arith.constant 0 : i32
      %dma_wait3A_128 = arith.constant 0 : i32
      %dma_wait3A_129 = tpu.memref_slice %arg2[%dma_wait3A_127, %dma_wait3A_128] : memref<10000x16xf32, #tpu.memory_space<hbm>> -> memref<128x16xf32, #tpu.memory_space<hbm>>
      tpu.wait_dma2 semaphore(%arg10 : memref<!tpu.dma_semaphore, #tpu.memory_space<semaphore_mem>>) src(%dma_wait3A_129 : memref<128x16xf32, #tpu.memory_space<hbm>>) dst(%dma_wait3A_126 : memref<128x16xf32, #tpu.memory_space<vmem>>)
    }
    %barrier3A_114 = arith.constant 0 : index
    tpu.barrier barrier_id(%barrier3A_114)
    "tpu.region"() ({
      %run_scoped3A_115 = tpu.sem_alloc : memref<!tpu.dma_semaphore, #tpu.memory_space<semaphore_mem>>
      %dma_start3A = arith.constant 0 : i32
      %dma_start3A_116 = tpu.memref_slice %arg5[%arg0, %mul3A_79, %dma_start3A] : memref<2x10112x16xf32, #tpu.memory_space<hbm>> -> memref<1x632x16xf32, #tpu.memory_space<hbm>>
      %dma_start3A_117 = tpu.memref_squeeze %dma_start3A_116 : memref<1x632x16xf32, #tpu.memory_space<hbm>> -> memref<632x16xf32, #tpu.memory_space<hbm>>
      %dma_start3A_118 = arith.constant 0 : i32
      %dma_start3A_119 = tpu.memref_slice %arg11[%mul3A_79, %dma_start3A_118] : memref<10112x16xf32, #tpu.memory_space<vmem_shared>> -> memref<632x16xf32, #tpu.memory_space<vmem_shared>>
      tpu.enqueue_dma source(%dma_start3A_119 : memref<632x16xf32, #tpu.memory_space<vmem_shared>>) target(%dma_start3A_117 : memref<632x16xf32, #tpu.memory_space<hbm>>) target_semaphore(%run_scoped3A_115 : memref<!tpu.dma_semaphore, #tpu.memory_space<semaphore_mem>>)
      %dma_wait3A = arith.constant 0 : i32
      %dma_wait3A_120 = tpu.memref_slice %arg5[%arg0, %mul3A_79, %dma_wait3A] : memref<2x10112x16xf32, #tpu.memory_space<hbm>> -> memref<1x632x16xf32, #tpu.memory_space<hbm>>
      %dma_wait3A_121 = tpu.memref_squeeze %dma_wait3A_120 : memref<1x632x16xf32, #tpu.memory_space<hbm>> -> memref<632x16xf32, #tpu.memory_space<hbm>>
      %dma_wait3A_122 = arith.constant 0 : i32
      %dma_wait3A_123 = tpu.memref_slice %arg11[%mul3A_79, %dma_wait3A_122] : memref<10112x16xf32, #tpu.memory_space<vmem_shared>> -> memref<632x16xf32, #tpu.memory_space<vmem_shared>>
      tpu.wait_dma2 semaphore(%run_scoped3A_115 : memref<!tpu.dma_semaphore, #tpu.memory_space<semaphore_mem>>) src(%dma_wait3A_123 : memref<632x16xf32, #tpu.memory_space<vmem_shared>>) dst(%dma_wait3A_121 : memref<632x16xf32, #tpu.memory_space<hbm>>)
      tpu.yield
    }) : () -> ()
    return
  }
}

#map = affine_map<(d0, d1) -> (0, 0, 0)>
#map1 = affine_map<(d0, d1) -> (0, 0)>
module attributes {stable_mosaic.version = 14 : i64} {
  func.func @_sc_degree(%arg0: i32, %arg1: i32, %arg2: memref<2x2500x128xi32, #tpu.memory_space<hbm>>, %arg3: memref<128x16xf32, #tpu.memory_space<hbm>>, %arg4: memref<10112x16xf32, #tpu.memory_space<hbm>>, %arg5: memref<2x10112x16xf32, #tpu.memory_space<hbm>>, %arg6: memref<96x128xi32, #tpu.memory_space<vmem>>, %arg7: memref<128x16xf32, #tpu.memory_space<vmem>>, %arg8: memref<10112x16xf32, #tpu.memory_space<vmem_shared>>, %arg9: memref<!tpu.dma_semaphore, #tpu.memory_space<semaphore_mem>>) attributes {dimension_semantics = [#tpu.dimension_semantics<core_parallel>, #tpu.dimension_semantics<subcore_parallel>], iteration_bounds = array<i64: 2, 16>, scalar_prefetch = 0 : i64, scratch_operands = 4 : i64, tpu.core_type = #tpu.core_type<sc_vector_subcore>, window_params = [{transform_indices = #map}, {transform_indices = #map1}, {transform_indices = #map1}, {transform_indices = #map}]} {
    %mul3A = arith.constant 2500 : i32
    %mul3A_0 = arith.muli %arg1, %mul3A : i32
    %jit3A = arith.constant 16 : i32
    %div3A = arith.divsi %mul3A_0, %jit3A : i32
    %sign3A = arith.constant 0 : i32
    %sign3A_1 = arith.cmpi sgt, %mul3A_0, %sign3A : i32
    %sign3A_2 = arith.extui %sign3A_1 : i1 to i32
    %sign3A_3 = arith.constant 0 : i32
    %sign3A_4 = arith.cmpi slt, %mul3A_0, %sign3A_3 : i32
    %sign3A_5 = arith.extui %sign3A_4 : i1 to i32
    %sign3A_6 = arith.subi %sign3A_2, %sign3A_5 : i32
    %sign3A_7 = arith.constant 0 : i32
    %sign3A_8 = arith.cmpi sgt, %jit3A, %sign3A_7 : i32
    %sign3A_9 = arith.extui %sign3A_8 : i1 to i32
    %sign3A_10 = arith.constant 0 : i32
    %sign3A_11 = arith.cmpi slt, %jit3A, %sign3A_10 : i32
    %sign3A_12 = arith.extui %sign3A_11 : i1 to i32
    %sign3A_13 = arith.subi %sign3A_9, %sign3A_12 : i32
    %ne3A = arith.cmpi ne, %sign3A_6, %sign3A_13 : i32
    %rem3A = arith.remsi %mul3A_0, %jit3A : i32
    %ne3A_14 = arith.constant 0 : i32
    %ne3A_15 = arith.cmpi ne, %rem3A, %ne3A_14 : i32
    %and3A = arith.andi %ne3A, %ne3A_15 : i1
    %sub3A = arith.constant 1 : i32
    %sub3A_16 = arith.subi %div3A, %sub3A : i32
    %select_n3A = arith.select %and3A, %sub3A_16, %div3A : i32
    %add3A = arith.constant 1 : i32
    %add3A_17 = arith.addi %arg1, %add3A : i32
    %mul3A_18 = arith.constant 2500 : i32
    %mul3A_19 = arith.muli %add3A_17, %mul3A_18 : i32
    %jit3A_20 = arith.constant 16 : i32
    %div3A_21 = arith.divsi %mul3A_19, %jit3A_20 : i32
    %sign3A_22 = arith.constant 0 : i32
    %sign3A_23 = arith.cmpi sgt, %mul3A_19, %sign3A_22 : i32
    %sign3A_24 = arith.extui %sign3A_23 : i1 to i32
    %sign3A_25 = arith.constant 0 : i32
    %sign3A_26 = arith.cmpi slt, %mul3A_19, %sign3A_25 : i32
    %sign3A_27 = arith.extui %sign3A_26 : i1 to i32
    %sign3A_28 = arith.subi %sign3A_24, %sign3A_27 : i32
    %sign3A_29 = arith.constant 0 : i32
    %sign3A_30 = arith.cmpi sgt, %jit3A_20, %sign3A_29 : i32
    %sign3A_31 = arith.extui %sign3A_30 : i1 to i32
    %sign3A_32 = arith.constant 0 : i32
    %sign3A_33 = arith.cmpi slt, %jit3A_20, %sign3A_32 : i32
    %sign3A_34 = arith.extui %sign3A_33 : i1 to i32
    %sign3A_35 = arith.subi %sign3A_31, %sign3A_34 : i32
    %ne3A_36 = arith.cmpi ne, %sign3A_28, %sign3A_35 : i32
    %rem3A_37 = arith.remsi %mul3A_19, %jit3A_20 : i32
    %ne3A_38 = arith.constant 0 : i32
    %ne3A_39 = arith.cmpi ne, %rem3A_37, %ne3A_38 : i32
    %and3A_40 = arith.andi %ne3A_36, %ne3A_39 : i1
    %sub3A_41 = arith.constant 1 : i32
    %sub3A_42 = arith.subi %div3A_21, %sub3A_41 : i32
    %select_n3A_43 = arith.select %and3A_40, %sub3A_42, %div3A_21 : i32
    %sub3A_44 = arith.subi %select_n3A_43, %select_n3A : i32
    %mul3A_45 = arith.constant 53 : i32
    %mul3A_46 = arith.muli %sub3A_44, %mul3A_45 : i32
    %jit3A_47 = arith.constant 100 : i32
    %div3A_48 = arith.divsi %mul3A_46, %jit3A_47 : i32
    %sign3A_49 = arith.constant 0 : i32
    %sign3A_50 = arith.cmpi sgt, %mul3A_46, %sign3A_49 : i32
    %sign3A_51 = arith.extui %sign3A_50 : i1 to i32
    %sign3A_52 = arith.constant 0 : i32
    %sign3A_53 = arith.cmpi slt, %mul3A_46, %sign3A_52 : i32
    %sign3A_54 = arith.extui %sign3A_53 : i1 to i32
    %sign3A_55 = arith.subi %sign3A_51, %sign3A_54 : i32
    %sign3A_56 = arith.constant 0 : i32
    %sign3A_57 = arith.cmpi sgt, %jit3A_47, %sign3A_56 : i32
    %sign3A_58 = arith.extui %sign3A_57 : i1 to i32
    %sign3A_59 = arith.constant 0 : i32
    %sign3A_60 = arith.cmpi slt, %jit3A_47, %sign3A_59 : i32
    %sign3A_61 = arith.extui %sign3A_60 : i1 to i32
    %sign3A_62 = arith.subi %sign3A_58, %sign3A_61 : i32
    %ne3A_63 = arith.cmpi ne, %sign3A_55, %sign3A_62 : i32
    %rem3A_64 = arith.remsi %mul3A_46, %jit3A_47 : i32
    %ne3A_65 = arith.constant 0 : i32
    %ne3A_66 = arith.cmpi ne, %rem3A_64, %ne3A_65 : i32
    %and3A_67 = arith.andi %ne3A_63, %ne3A_66 : i1
    %sub3A_68 = arith.constant 1 : i32
    %sub3A_69 = arith.subi %div3A_48, %sub3A_68 : i32
    %select_n3A_70 = arith.select %and3A_67, %sub3A_69, %div3A_48 : i32
    %mul3A_71 = arith.muli %arg0, %select_n3A_70 : i32
    %add3A_72 = arith.addi %select_n3A, %mul3A_71 : i32
    %eq3A = arith.constant 0 : i32
    %eq3A_73 = arith.cmpi eq, %arg0, %eq3A : i32
    %sub3A_74 = arith.subi %sub3A_44, %select_n3A_70 : i32
    %select_n3A_75 = arith.select %eq3A_73, %select_n3A_70, %sub3A_74 : i32
    %min3A = arith.constant 2404 : i32
    %min3A_76 = arith.minsi %add3A_72, %min3A : i32
    %sub3A_77 = arith.subi %add3A_72, %min3A_76 : i32
    %mul3A_78 = arith.constant 632 : i32
    %mul3A_79 = arith.muli %arg1, %mul3A_78 : i32
    "tpu.region"() ({
      %run_scoped3A_100 = tpu.sem_alloc : memref<!tpu.dma_semaphore, #tpu.memory_space<semaphore_mem>>
      %dma_start3A = arith.constant 0 : i32
      %dma_start3A_101 = tpu.memref_slice %arg8[%mul3A_79, %dma_start3A] : memref<10112x16xf32, #tpu.memory_space<vmem_shared>> -> memref<632x16xf32, #tpu.memory_space<vmem_shared>>
      %dma_start3A_102 = arith.constant 0 : i32
      %dma_start3A_103 = tpu.memref_slice %arg4[%mul3A_79, %dma_start3A_102] : memref<10112x16xf32, #tpu.memory_space<hbm>> -> memref<632x16xf32, #tpu.memory_space<hbm>>
      tpu.enqueue_dma source(%dma_start3A_103 : memref<632x16xf32, #tpu.memory_space<hbm>>) target(%dma_start3A_101 : memref<632x16xf32, #tpu.memory_space<vmem_shared>>) target_semaphore(%run_scoped3A_100 : memref<!tpu.dma_semaphore, #tpu.memory_space<semaphore_mem>>)
      %dma_wait3A = arith.constant 0 : i32
      %dma_wait3A_104 = tpu.memref_slice %arg8[%mul3A_79, %dma_wait3A] : memref<10112x16xf32, #tpu.memory_space<vmem_shared>> -> memref<632x16xf32, #tpu.memory_space<vmem_shared>>
      %dma_wait3A_105 = arith.constant 0 : i32
      %dma_wait3A_106 = tpu.memref_slice %arg4[%mul3A_79, %dma_wait3A_105] : memref<10112x16xf32, #tpu.memory_space<hbm>> -> memref<632x16xf32, #tpu.memory_space<hbm>>
      tpu.wait_dma2 semaphore(%run_scoped3A_100 : memref<!tpu.dma_semaphore, #tpu.memory_space<semaphore_mem>>) src(%dma_wait3A_106 : memref<632x16xf32, #tpu.memory_space<hbm>>) dst(%dma_wait3A_104 : memref<632x16xf32, #tpu.memory_space<vmem_shared>>)
      tpu.yield
    }) : () -> ()
    %run_scoped3A = arith.constant 1 : i32
    "tpu.region"() ({
      %run_scoped3A_100 = tpu.sem_alloc : memref<!tpu.dma_semaphore, #tpu.memory_space<semaphore_mem>>
      %dma_start3A = arith.constant 0 : i32
      %dma_start3A_101 = tpu.memref_slice %arg2[%run_scoped3A, %min3A_76, %dma_start3A] : memref<2x2500x128xi32, #tpu.memory_space<hbm>> -> memref<1x96x128xi32, #tpu.memory_space<hbm>>
      %dma_start3A_102 = tpu.memref_squeeze %dma_start3A_101 : memref<1x96x128xi32, #tpu.memory_space<hbm>> -> memref<96x128xi32, #tpu.memory_space<hbm>>
      %dma_start3A_103 = arith.constant 0 : i32
      %dma_start3A_104 = tpu.memref_slice %arg2[%run_scoped3A, %min3A_76, %dma_start3A_103] : memref<2x2500x128xi32, #tpu.memory_space<hbm>> -> memref<1x96x128xi32, #tpu.memory_space<hbm>>
      %dma_start3A_105 = tpu.memref_squeeze %dma_start3A_104 : memref<1x96x128xi32, #tpu.memory_space<hbm>> -> memref<96x128xi32, #tpu.memory_space<hbm>>
      tpu.enqueue_dma source(%dma_start3A_105 : memref<96x128xi32, #tpu.memory_space<hbm>>) target(%arg6 : memref<96x128xi32, #tpu.memory_space<vmem>>) target_semaphore(%run_scoped3A_100 : memref<!tpu.dma_semaphore, #tpu.memory_space<semaphore_mem>>)
      %dma_wait3A = arith.constant 0 : i32
      %dma_wait3A_106 = tpu.memref_slice %arg2[%run_scoped3A, %min3A_76, %dma_wait3A] : memref<2x2500x128xi32, #tpu.memory_space<hbm>> -> memref<1x96x128xi32, #tpu.memory_space<hbm>>
      %dma_wait3A_107 = tpu.memref_squeeze %dma_wait3A_106 : memref<1x96x128xi32, #tpu.memory_space<hbm>> -> memref<96x128xi32, #tpu.memory_space<hbm>>
      %dma_wait3A_108 = arith.constant 0 : i32
      %dma_wait3A_109 = tpu.memref_slice %arg2[%run_scoped3A, %min3A_76, %dma_wait3A_108] : memref<2x2500x128xi32, #tpu.memory_space<hbm>> -> memref<1x96x128xi32, #tpu.memory_space<hbm>>
      %dma_wait3A_110 = tpu.memref_squeeze %dma_wait3A_109 : memref<1x96x128xi32, #tpu.memory_space<hbm>> -> memref<96x128xi32, #tpu.memory_space<hbm>>
      tpu.wait_dma2 semaphore(%run_scoped3A_100 : memref<!tpu.dma_semaphore, #tpu.memory_space<semaphore_mem>>) src(%dma_wait3A_110 : memref<96x128xi32, #tpu.memory_space<hbm>>) dst(%arg6 : memref<96x128xi32, #tpu.memory_space<vmem>>)
      tpu.yield
    }) : () -> ()
    "tpu.region"() ({
      %run_scoped3A_100 = tpu.sem_alloc : memref<!tpu.dma_semaphore, #tpu.memory_space<semaphore_mem>>
      tpu.enqueue_dma source(%arg3 : memref<128x16xf32, #tpu.memory_space<hbm>>) target(%arg7 : memref<128x16xf32, #tpu.memory_space<vmem>>) target_semaphore(%run_scoped3A_100 : memref<!tpu.dma_semaphore, #tpu.memory_space<semaphore_mem>>)
      tpu.wait_dma2 semaphore(%run_scoped3A_100 : memref<!tpu.dma_semaphore, #tpu.memory_space<semaphore_mem>>) src(%arg3 : memref<128x16xf32, #tpu.memory_space<hbm>>) dst(%arg7 : memref<128x16xf32, #tpu.memory_space<vmem>>)
      tpu.yield
    }) : () -> ()
    %barrier3A = arith.constant 0 : index
    tpu.barrier barrier_id(%barrier3A)
    %while3A = arith.constant 0 : i32
    %while3A_80 = arith.constant 0 : i32
    %while3A_81 = arith.subi %select_n3A_75, %while3A_80 : i32
    %while3A_82 = arith.addi %while3A_80, %while3A_81 : i32
    %while3A_83 = arith.constant 1 : i32
    %while3A_84 = arith.divsi %while3A_81, %while3A_83 : i32
    %while3A_85 = arith.muli %while3A_84, %while3A_83 : i32
    %while3A_86 = arith.addi %while3A_80, %while3A_85 : i32
    %while3A_87 = arith.constant 1 : i32
    scf.for %while3A_100 = %while3A_80 to %while3A_86 step %while3A_87  : i32 {
      %add3A_101 = arith.addi %sub3A_77, %while3A_100 : i32
      %dma_start3A = arith.constant 0 : i32
      %dma_start3A_102 = tpu.memref_slice %arg6[%add3A_101, %dma_start3A] : memref<96x128xi32, #tpu.memory_space<vmem>> -> memref<1x128xi32, #tpu.memory_space<vmem>>
      %dma_start3A_103 = tpu.memref_squeeze %dma_start3A_102 : memref<1x128xi32, #tpu.memory_space<vmem>> -> memref<128xi32, #tpu.memory_space<vmem>>
      %dma_start3A_104 = arith.constant 0 : i32
      %dma_start3A_105 = arith.constant 0 : i32
      %dma_start3A_106 = tpu.memref_slice %arg8[%dma_start3A_104, %dma_start3A_105] : memref<10112x16xf32, #tpu.memory_space<vmem_shared>> -> memref<10112x16xf32, #tpu.memory_space<vmem_shared>>
      tpu.enqueue_indirect_dma source(%arg7 : memref<128x16xf32, #tpu.memory_space<vmem>>) target(%dma_start3A_106 : memref<10112x16xf32, #tpu.memory_space<vmem_shared>>) offsets(%dma_start3A_103 : memref<128xi32, #tpu.memory_space<vmem>>) semaphore(%arg9 : memref<!tpu.dma_semaphore, #tpu.memory_space<semaphore_mem>>) {add = true}
    }
    %while3A_88 = arith.constant 1 : i32
    scf.for %while3A_100 = %while3A_86 to %while3A_82 step %while3A_88  : i32 {
      %add3A_101 = arith.addi %sub3A_77, %while3A_100 : i32
      %dma_start3A = arith.constant 0 : i32
      %dma_start3A_102 = tpu.memref_slice %arg6[%add3A_101, %dma_start3A] : memref<96x128xi32, #tpu.memory_space<vmem>> -> memref<1x128xi32, #tpu.memory_space<vmem>>
      %dma_start3A_103 = tpu.memref_squeeze %dma_start3A_102 : memref<1x128xi32, #tpu.memory_space<vmem>> -> memref<128xi32, #tpu.memory_space<vmem>>
      %dma_start3A_104 = arith.constant 0 : i32
      %dma_start3A_105 = arith.constant 0 : i32
      %dma_start3A_106 = tpu.memref_slice %arg8[%dma_start3A_104, %dma_start3A_105] : memref<10112x16xf32, #tpu.memory_space<vmem_shared>> -> memref<10112x16xf32, #tpu.memory_space<vmem_shared>>
      tpu.enqueue_indirect_dma source(%arg7 : memref<128x16xf32, #tpu.memory_space<vmem>>) target(%dma_start3A_106 : memref<10112x16xf32, #tpu.memory_space<vmem_shared>>) offsets(%dma_start3A_103 : memref<128xi32, #tpu.memory_space<vmem>>) semaphore(%arg9 : memref<!tpu.dma_semaphore, #tpu.memory_space<semaphore_mem>>) {add = true}
    }
    %while3A_89 = arith.constant 0 : i32
    %while3A_90 = arith.constant 0 : i32
    %while3A_91 = arith.subi %select_n3A_75, %while3A_90 : i32
    %while3A_92 = arith.addi %while3A_90, %while3A_91 : i32
    %while3A_93 = arith.constant 1 : i32
    %while3A_94 = arith.divsi %while3A_91, %while3A_93 : i32
    %while3A_95 = arith.muli %while3A_94, %while3A_93 : i32
    %while3A_96 = arith.addi %while3A_90, %while3A_95 : i32
    %while3A_97 = arith.constant 1 : i32
    scf.for %while3A_100 = %while3A_90 to %while3A_96 step %while3A_97  : i32 {
      %dma_wait3A = arith.constant 0 : i32
      %dma_wait3A_101 = arith.constant 0 : i32
      %dma_wait3A_102 = tpu.memref_slice %arg4[%dma_wait3A, %dma_wait3A_101] : memref<10112x16xf32, #tpu.memory_space<hbm>> -> memref<128x16xf32, #tpu.memory_space<hbm>>
      %dma_wait3A_103 = arith.constant 0 : i32
      %dma_wait3A_104 = arith.constant 0 : i32
      %dma_wait3A_105 = tpu.memref_slice %arg4[%dma_wait3A_103, %dma_wait3A_104] : memref<10112x16xf32, #tpu.memory_space<hbm>> -> memref<128x16xf32, #tpu.memory_space<hbm>>
      tpu.wait_dma2 semaphore(%arg9 : memref<!tpu.dma_semaphore, #tpu.memory_space<semaphore_mem>>) src(%dma_wait3A_105 : memref<128x16xf32, #tpu.memory_space<hbm>>) dst(%arg7 : memref<128x16xf32, #tpu.memory_space<vmem>>)
    }
    %while3A_98 = arith.constant 1 : i32
    scf.for %while3A_100 = %while3A_96 to %while3A_92 step %while3A_98  : i32 {
      %dma_wait3A = arith.constant 0 : i32
      %dma_wait3A_101 = arith.constant 0 : i32
      %dma_wait3A_102 = tpu.memref_slice %arg4[%dma_wait3A, %dma_wait3A_101] : memref<10112x16xf32, #tpu.memory_space<hbm>> -> memref<128x16xf32, #tpu.memory_space<hbm>>
      %dma_wait3A_103 = arith.constant 0 : i32
      %dma_wait3A_104 = arith.constant 0 : i32
      %dma_wait3A_105 = tpu.memref_slice %arg4[%dma_wait3A_103, %dma_wait3A_104] : memref<10112x16xf32, #tpu.memory_space<hbm>> -> memref<128x16xf32, #tpu.memory_space<hbm>>
      tpu.wait_dma2 semaphore(%arg9 : memref<!tpu.dma_semaphore, #tpu.memory_space<semaphore_mem>>) src(%dma_wait3A_105 : memref<128x16xf32, #tpu.memory_space<hbm>>) dst(%arg7 : memref<128x16xf32, #tpu.memory_space<vmem>>)
    }
    %barrier3A_99 = arith.constant 0 : index
    tpu.barrier barrier_id(%barrier3A_99)
    "tpu.region"() ({
      %run_scoped3A_100 = tpu.sem_alloc : memref<!tpu.dma_semaphore, #tpu.memory_space<semaphore_mem>>
      %dma_start3A = arith.constant 0 : i32
      %dma_start3A_101 = tpu.memref_slice %arg5[%arg0, %mul3A_79, %dma_start3A] : memref<2x10112x16xf32, #tpu.memory_space<hbm>> -> memref<1x632x16xf32, #tpu.memory_space<hbm>>
      %dma_start3A_102 = tpu.memref_squeeze %dma_start3A_101 : memref<1x632x16xf32, #tpu.memory_space<hbm>> -> memref<632x16xf32, #tpu.memory_space<hbm>>
      %dma_start3A_103 = arith.constant 0 : i32
      %dma_start3A_104 = tpu.memref_slice %arg8[%mul3A_79, %dma_start3A_103] : memref<10112x16xf32, #tpu.memory_space<vmem_shared>> -> memref<632x16xf32, #tpu.memory_space<vmem_shared>>
      tpu.enqueue_dma source(%dma_start3A_104 : memref<632x16xf32, #tpu.memory_space<vmem_shared>>) target(%dma_start3A_102 : memref<632x16xf32, #tpu.memory_space<hbm>>) target_semaphore(%run_scoped3A_100 : memref<!tpu.dma_semaphore, #tpu.memory_space<semaphore_mem>>)
      %dma_wait3A = arith.constant 0 : i32
      %dma_wait3A_105 = tpu.memref_slice %arg5[%arg0, %mul3A_79, %dma_wait3A] : memref<2x10112x16xf32, #tpu.memory_space<hbm>> -> memref<1x632x16xf32, #tpu.memory_space<hbm>>
      %dma_wait3A_106 = tpu.memref_squeeze %dma_wait3A_105 : memref<1x632x16xf32, #tpu.memory_space<hbm>> -> memref<632x16xf32, #tpu.memory_space<hbm>>
      %dma_wait3A_107 = arith.constant 0 : i32
      %dma_wait3A_108 = tpu.memref_slice %arg8[%mul3A_79, %dma_wait3A_107] : memref<10112x16xf32, #tpu.memory_space<vmem_shared>> -> memref<632x16xf32, #tpu.memory_space<vmem_shared>>
      tpu.wait_dma2 semaphore(%run_scoped3A_100 : memref<!tpu.dma_semaphore, #tpu.memory_space<semaphore_mem>>) src(%dma_wait3A_108 : memref<632x16xf32, #tpu.memory_space<vmem_shared>>) dst(%dma_wait3A_106 : memref<632x16xf32, #tpu.memory_space<hbm>>)
      tpu.yield
    }) : () -> ()
    return
  }
}

#map = affine_map<(d0, d1) -> (0, 0)>
#map1 = affine_map<(d0, d1) -> (0, 0, 0)>
module attributes {stable_mosaic.version = 14 : i64} {
  func.func @_sc_agg(%arg0: i32, %arg1: i32, %arg2: memref<10000x16xf32, #tpu.memory_space<hbm>>, %arg3: memref<2x2500x128xi32, #tpu.memory_space<hbm>>, %arg4: memref<10112x16xf32, #tpu.memory_space<hbm>>, %arg5: memref<2x10112x16xf32, #tpu.memory_space<hbm>>, %arg6: memref<96x128xi32, #tpu.memory_space<vmem>>, %arg7: memref<96x128xi32, #tpu.memory_space<vmem>>, %arg8: memref<24x128x16xf32, #tpu.memory_space<vmem>>, %arg9: memref<!tpu.dma_semaphore, #tpu.memory_space<semaphore_mem>>, %arg10: memref<!tpu.dma_semaphore, #tpu.memory_space<semaphore_mem>>, %arg11: memref<10112x16xf32, #tpu.memory_space<vmem_shared>>) attributes {dimension_semantics = [#tpu.dimension_semantics<core_parallel>, #tpu.dimension_semantics<subcore_parallel>], iteration_bounds = array<i64: 2, 16>, scalar_prefetch = 0 : i64, scratch_operands = 6 : i64, tpu.core_type = #tpu.core_type<sc_vector_subcore>, window_params = [{transform_indices = #map}, {transform_indices = #map1}, {transform_indices = #map}, {transform_indices = #map1}]} {
    %mul3A = arith.constant 2500 : i32
    %mul3A_0 = arith.muli %arg1, %mul3A : i32
    %jit3A = arith.constant 16 : i32
    %div3A = arith.divsi %mul3A_0, %jit3A : i32
    %sign3A = arith.constant 0 : i32
    %sign3A_1 = arith.cmpi sgt, %mul3A_0, %sign3A : i32
    %sign3A_2 = arith.extui %sign3A_1 : i1 to i32
    %sign3A_3 = arith.constant 0 : i32
    %sign3A_4 = arith.cmpi slt, %mul3A_0, %sign3A_3 : i32
    %sign3A_5 = arith.extui %sign3A_4 : i1 to i32
    %sign3A_6 = arith.subi %sign3A_2, %sign3A_5 : i32
    %sign3A_7 = arith.constant 0 : i32
    %sign3A_8 = arith.cmpi sgt, %jit3A, %sign3A_7 : i32
    %sign3A_9 = arith.extui %sign3A_8 : i1 to i32
    %sign3A_10 = arith.constant 0 : i32
    %sign3A_11 = arith.cmpi slt, %jit3A, %sign3A_10 : i32
    %sign3A_12 = arith.extui %sign3A_11 : i1 to i32
    %sign3A_13 = arith.subi %sign3A_9, %sign3A_12 : i32
    %ne3A = arith.cmpi ne, %sign3A_6, %sign3A_13 : i32
    %rem3A = arith.remsi %mul3A_0, %jit3A : i32
    %ne3A_14 = arith.constant 0 : i32
    %ne3A_15 = arith.cmpi ne, %rem3A, %ne3A_14 : i32
    %and3A = arith.andi %ne3A, %ne3A_15 : i1
    %sub3A = arith.constant 1 : i32
    %sub3A_16 = arith.subi %div3A, %sub3A : i32
    %select_n3A = arith.select %and3A, %sub3A_16, %div3A : i32
    %add3A = arith.constant 1 : i32
    %add3A_17 = arith.addi %arg1, %add3A : i32
    %mul3A_18 = arith.constant 2500 : i32
    %mul3A_19 = arith.muli %add3A_17, %mul3A_18 : i32
    %jit3A_20 = arith.constant 16 : i32
    %div3A_21 = arith.divsi %mul3A_19, %jit3A_20 : i32
    %sign3A_22 = arith.constant 0 : i32
    %sign3A_23 = arith.cmpi sgt, %mul3A_19, %sign3A_22 : i32
    %sign3A_24 = arith.extui %sign3A_23 : i1 to i32
    %sign3A_25 = arith.constant 0 : i32
    %sign3A_26 = arith.cmpi slt, %mul3A_19, %sign3A_25 : i32
    %sign3A_27 = arith.extui %sign3A_26 : i1 to i32
    %sign3A_28 = arith.subi %sign3A_24, %sign3A_27 : i32
    %sign3A_29 = arith.constant 0 : i32
    %sign3A_30 = arith.cmpi sgt, %jit3A_20, %sign3A_29 : i32
    %sign3A_31 = arith.extui %sign3A_30 : i1 to i32
    %sign3A_32 = arith.constant 0 : i32
    %sign3A_33 = arith.cmpi slt, %jit3A_20, %sign3A_32 : i32
    %sign3A_34 = arith.extui %sign3A_33 : i1 to i32
    %sign3A_35 = arith.subi %sign3A_31, %sign3A_34 : i32
    %ne3A_36 = arith.cmpi ne, %sign3A_28, %sign3A_35 : i32
    %rem3A_37 = arith.remsi %mul3A_19, %jit3A_20 : i32
    %ne3A_38 = arith.constant 0 : i32
    %ne3A_39 = arith.cmpi ne, %rem3A_37, %ne3A_38 : i32
    %and3A_40 = arith.andi %ne3A_36, %ne3A_39 : i1
    %sub3A_41 = arith.constant 1 : i32
    %sub3A_42 = arith.subi %div3A_21, %sub3A_41 : i32
    %select_n3A_43 = arith.select %and3A_40, %sub3A_42, %div3A_21 : i32
    %sub3A_44 = arith.subi %select_n3A_43, %select_n3A : i32
    %mul3A_45 = arith.constant 13 : i32
    %mul3A_46 = arith.muli %sub3A_44, %mul3A_45 : i32
    %jit3A_47 = arith.constant 25 : i32
    %div3A_48 = arith.divsi %mul3A_46, %jit3A_47 : i32
    %sign3A_49 = arith.constant 0 : i32
    %sign3A_50 = arith.cmpi sgt, %mul3A_46, %sign3A_49 : i32
    %sign3A_51 = arith.extui %sign3A_50 : i1 to i32
    %sign3A_52 = arith.constant 0 : i32
    %sign3A_53 = arith.cmpi slt, %mul3A_46, %sign3A_52 : i32
    %sign3A_54 = arith.extui %sign3A_53 : i1 to i32
    %sign3A_55 = arith.subi %sign3A_51, %sign3A_54 : i32
    %sign3A_56 = arith.constant 0 : i32
    %sign3A_57 = arith.cmpi sgt, %jit3A_47, %sign3A_56 : i32
    %sign3A_58 = arith.extui %sign3A_57 : i1 to i32
    %sign3A_59 = arith.constant 0 : i32
    %sign3A_60 = arith.cmpi slt, %jit3A_47, %sign3A_59 : i32
    %sign3A_61 = arith.extui %sign3A_60 : i1 to i32
    %sign3A_62 = arith.subi %sign3A_58, %sign3A_61 : i32
    %ne3A_63 = arith.cmpi ne, %sign3A_55, %sign3A_62 : i32
    %rem3A_64 = arith.remsi %mul3A_46, %jit3A_47 : i32
    %ne3A_65 = arith.constant 0 : i32
    %ne3A_66 = arith.cmpi ne, %rem3A_64, %ne3A_65 : i32
    %and3A_67 = arith.andi %ne3A_63, %ne3A_66 : i1
    %sub3A_68 = arith.constant 1 : i32
    %sub3A_69 = arith.subi %div3A_48, %sub3A_68 : i32
    %select_n3A_70 = arith.select %and3A_67, %sub3A_69, %div3A_48 : i32
    %mul3A_71 = arith.muli %arg0, %select_n3A_70 : i32
    %add3A_72 = arith.addi %select_n3A, %mul3A_71 : i32
    %eq3A = arith.constant 0 : i32
    %eq3A_73 = arith.cmpi eq, %arg0, %eq3A : i32
    %sub3A_74 = arith.subi %sub3A_44, %select_n3A_70 : i32
    %select_n3A_75 = arith.select %eq3A_73, %select_n3A_70, %sub3A_74 : i32
    %min3A = arith.constant 2404 : i32
    %min3A_76 = arith.minsi %add3A_72, %min3A : i32
    %sub3A_77 = arith.subi %add3A_72, %min3A_76 : i32
    %mul3A_78 = arith.constant 632 : i32
    %mul3A_79 = arith.muli %arg1, %mul3A_78 : i32
    "tpu.region"() ({
      %run_scoped3A_115 = tpu.sem_alloc : memref<!tpu.dma_semaphore, #tpu.memory_space<semaphore_mem>>
      %dma_start3A = arith.constant 0 : i32
      %dma_start3A_116 = tpu.memref_slice %arg11[%mul3A_79, %dma_start3A] : memref<10112x16xf32, #tpu.memory_space<vmem_shared>> -> memref<632x16xf32, #tpu.memory_space<vmem_shared>>
      %dma_start3A_117 = arith.constant 0 : i32
      %dma_start3A_118 = tpu.memref_slice %arg4[%mul3A_79, %dma_start3A_117] : memref<10112x16xf32, #tpu.memory_space<hbm>> -> memref<632x16xf32, #tpu.memory_space<hbm>>
      tpu.enqueue_dma source(%dma_start3A_118 : memref<632x16xf32, #tpu.memory_space<hbm>>) target(%dma_start3A_116 : memref<632x16xf32, #tpu.memory_space<vmem_shared>>) target_semaphore(%run_scoped3A_115 : memref<!tpu.dma_semaphore, #tpu.memory_space<semaphore_mem>>)
      %dma_wait3A = arith.constant 0 : i32
      %dma_wait3A_119 = tpu.memref_slice %arg11[%mul3A_79, %dma_wait3A] : memref<10112x16xf32, #tpu.memory_space<vmem_shared>> -> memref<632x16xf32, #tpu.memory_space<vmem_shared>>
      %dma_wait3A_120 = arith.constant 0 : i32
      %dma_wait3A_121 = tpu.memref_slice %arg4[%mul3A_79, %dma_wait3A_120] : memref<10112x16xf32, #tpu.memory_space<hbm>> -> memref<632x16xf32, #tpu.memory_space<hbm>>
      tpu.wait_dma2 semaphore(%run_scoped3A_115 : memref<!tpu.dma_semaphore, #tpu.memory_space<semaphore_mem>>) src(%dma_wait3A_121 : memref<632x16xf32, #tpu.memory_space<hbm>>) dst(%dma_wait3A_119 : memref<632x16xf32, #tpu.memory_space<vmem_shared>>)
      tpu.yield
    }) : () -> ()
    %run_scoped3A = arith.constant 0 : i32
    "tpu.region"() ({
      %run_scoped3A_115 = tpu.sem_alloc : memref<!tpu.dma_semaphore, #tpu.memory_space<semaphore_mem>>
      %dma_start3A = arith.constant 0 : i32
      %dma_start3A_116 = tpu.memref_slice %arg3[%run_scoped3A, %min3A_76, %dma_start3A] : memref<2x2500x128xi32, #tpu.memory_space<hbm>> -> memref<1x96x128xi32, #tpu.memory_space<hbm>>
      %dma_start3A_117 = tpu.memref_squeeze %dma_start3A_116 : memref<1x96x128xi32, #tpu.memory_space<hbm>> -> memref<96x128xi32, #tpu.memory_space<hbm>>
      %dma_start3A_118 = arith.constant 0 : i32
      %dma_start3A_119 = tpu.memref_slice %arg3[%run_scoped3A, %min3A_76, %dma_start3A_118] : memref<2x2500x128xi32, #tpu.memory_space<hbm>> -> memref<1x96x128xi32, #tpu.memory_space<hbm>>
      %dma_start3A_120 = tpu.memref_squeeze %dma_start3A_119 : memref<1x96x128xi32, #tpu.memory_space<hbm>> -> memref<96x128xi32, #tpu.memory_space<hbm>>
      tpu.enqueue_dma source(%dma_start3A_120 : memref<96x128xi32, #tpu.memory_space<hbm>>) target(%arg6 : memref<96x128xi32, #tpu.memory_space<vmem>>) target_semaphore(%run_scoped3A_115 : memref<!tpu.dma_semaphore, #tpu.memory_space<semaphore_mem>>)
      %dma_wait3A = arith.constant 0 : i32
      %dma_wait3A_121 = tpu.memref_slice %arg3[%run_scoped3A, %min3A_76, %dma_wait3A] : memref<2x2500x128xi32, #tpu.memory_space<hbm>> -> memref<1x96x128xi32, #tpu.memory_space<hbm>>
      %dma_wait3A_122 = tpu.memref_squeeze %dma_wait3A_121 : memref<1x96x128xi32, #tpu.memory_space<hbm>> -> memref<96x128xi32, #tpu.memory_space<hbm>>
      %dma_wait3A_123 = arith.constant 0 : i32
      %dma_wait3A_124 = tpu.memref_slice %arg3[%run_scoped3A, %min3A_76, %dma_wait3A_123] : memref<2x2500x128xi32, #tpu.memory_space<hbm>> -> memref<1x96x128xi32, #tpu.memory_space<hbm>>
      %dma_wait3A_125 = tpu.memref_squeeze %dma_wait3A_124 : memref<1x96x128xi32, #tpu.memory_space<hbm>> -> memref<96x128xi32, #tpu.memory_space<hbm>>
      tpu.wait_dma2 semaphore(%run_scoped3A_115 : memref<!tpu.dma_semaphore, #tpu.memory_space<semaphore_mem>>) src(%dma_wait3A_125 : memref<96x128xi32, #tpu.memory_space<hbm>>) dst(%arg6 : memref<96x128xi32, #tpu.memory_space<vmem>>)
      tpu.yield
    }) : () -> ()
    %run_scoped3A_80 = arith.constant 1 : i32
    "tpu.region"() ({
      %run_scoped3A_115 = tpu.sem_alloc : memref<!tpu.dma_semaphore, #tpu.memory_space<semaphore_mem>>
      %dma_start3A = arith.constant 0 : i32
      %dma_start3A_116 = tpu.memref_slice %arg3[%run_scoped3A_80, %min3A_76, %dma_start3A] : memref<2x2500x128xi32, #tpu.memory_space<hbm>> -> memref<1x96x128xi32, #tpu.memory_space<hbm>>
      %dma_start3A_117 = tpu.memref_squeeze %dma_start3A_116 : memref<1x96x128xi32, #tpu.memory_space<hbm>> -> memref<96x128xi32, #tpu.memory_space<hbm>>
      %dma_start3A_118 = arith.constant 0 : i32
      %dma_start3A_119 = tpu.memref_slice %arg3[%run_scoped3A_80, %min3A_76, %dma_start3A_118] : memref<2x2500x128xi32, #tpu.memory_space<hbm>> -> memref<1x96x128xi32, #tpu.memory_space<hbm>>
      %dma_start3A_120 = tpu.memref_squeeze %dma_start3A_119 : memref<1x96x128xi32, #tpu.memory_space<hbm>> -> memref<96x128xi32, #tpu.memory_space<hbm>>
      tpu.enqueue_dma source(%dma_start3A_120 : memref<96x128xi32, #tpu.memory_space<hbm>>) target(%arg7 : memref<96x128xi32, #tpu.memory_space<vmem>>) target_semaphore(%run_scoped3A_115 : memref<!tpu.dma_semaphore, #tpu.memory_space<semaphore_mem>>)
      %dma_wait3A = arith.constant 0 : i32
      %dma_wait3A_121 = tpu.memref_slice %arg3[%run_scoped3A_80, %min3A_76, %dma_wait3A] : memref<2x2500x128xi32, #tpu.memory_space<hbm>> -> memref<1x96x128xi32, #tpu.memory_space<hbm>>
      %dma_wait3A_122 = tpu.memref_squeeze %dma_wait3A_121 : memref<1x96x128xi32, #tpu.memory_space<hbm>> -> memref<96x128xi32, #tpu.memory_space<hbm>>
      %dma_wait3A_123 = arith.constant 0 : i32
      %dma_wait3A_124 = tpu.memref_slice %arg3[%run_scoped3A_80, %min3A_76, %dma_wait3A_123] : memref<2x2500x128xi32, #tpu.memory_space<hbm>> -> memref<1x96x128xi32, #tpu.memory_space<hbm>>
      %dma_wait3A_125 = tpu.memref_squeeze %dma_wait3A_124 : memref<1x96x128xi32, #tpu.memory_space<hbm>> -> memref<96x128xi32, #tpu.memory_space<hbm>>
      tpu.wait_dma2 semaphore(%run_scoped3A_115 : memref<!tpu.dma_semaphore, #tpu.memory_space<semaphore_mem>>) src(%dma_wait3A_125 : memref<96x128xi32, #tpu.memory_space<hbm>>) dst(%arg7 : memref<96x128xi32, #tpu.memory_space<vmem>>)
      tpu.yield
    }) : () -> ()
    %barrier3A = arith.constant 0 : index
    tpu.barrier barrier_id(%barrier3A)
    %min3A_81 = arith.constant 12 : i32
    %min3A_82 = arith.minsi %min3A_81, %select_n3A_75 : i32
    %while3A = arith.constant 0 : i32
    %while3A_83 = arith.constant 0 : i32
    %while3A_84 = arith.subi %min3A_82, %while3A_83 : i32
    %while3A_85 = arith.addi %while3A_83, %while3A_84 : i32
    %while3A_86 = arith.constant 1 : i32
    %while3A_87 = arith.divsi %while3A_84, %while3A_86 : i32
    %while3A_88 = arith.muli %while3A_87, %while3A_86 : i32
    %while3A_89 = arith.addi %while3A_83, %while3A_88 : i32
    %while3A_90 = arith.constant 1 : i32
    scf.for %while3A_115 = %while3A_83 to %while3A_89 step %while3A_90  : i32 {
      %add3A_116 = arith.addi %sub3A_77, %while3A_115 : i32
      %dma_start3A = arith.constant 0 : i32
      %dma_start3A_117 = arith.constant 0 : i32
      %dma_start3A_118 = tpu.memref_slice %arg8[%while3A_115, %dma_start3A, %dma_start3A_117] : memref<24x128x16xf32, #tpu.memory_space<vmem>> -> memref<1x128x16xf32, #tpu.memory_space<vmem>>
      %dma_start3A_119 = tpu.memref_squeeze %dma_start3A_118 : memref<1x128x16xf32, #tpu.memory_space<vmem>> -> memref<128x16xf32, #tpu.memory_space<vmem>>
      %dma_start3A_120 = arith.constant 0 : i32
      %dma_start3A_121 = tpu.memref_slice %arg6[%add3A_116, %dma_start3A_120] : memref<96x128xi32, #tpu.memory_space<vmem>> -> memref<1x128xi32, #tpu.memory_space<vmem>>
      %dma_start3A_122 = tpu.memref_squeeze %dma_start3A_121 : memref<1x128xi32, #tpu.memory_space<vmem>> -> memref<128xi32, #tpu.memory_space<vmem>>
      %dma_start3A_123 = arith.constant 0 : i32
      %dma_start3A_124 = arith.constant 0 : i32
      %dma_start3A_125 = tpu.memref_slice %arg2[%dma_start3A_123, %dma_start3A_124] : memref<10000x16xf32, #tpu.memory_space<hbm>> -> memref<10000x16xf32, #tpu.memory_space<hbm>>
      tpu.enqueue_indirect_dma source(%dma_start3A_125 : memref<10000x16xf32, #tpu.memory_space<hbm>>) target(%dma_start3A_119 : memref<128x16xf32, #tpu.memory_space<vmem>>) offsets(%dma_start3A_122 : memref<128xi32, #tpu.memory_space<vmem>>) semaphore(%arg9 : memref<!tpu.dma_semaphore, #tpu.memory_space<semaphore_mem>>)
    }
    %while3A_91 = arith.constant 1 : i32
    scf.for %while3A_115 = %while3A_89 to %while3A_85 step %while3A_91  : i32 {
      %add3A_116 = arith.addi %sub3A_77, %while3A_115 : i32
      %dma_start3A = arith.constant 0 : i32
      %dma_start3A_117 = arith.constant 0 : i32
      %dma_start3A_118 = tpu.memref_slice %arg8[%while3A_115, %dma_start3A, %dma_start3A_117] : memref<24x128x16xf32, #tpu.memory_space<vmem>> -> memref<1x128x16xf32, #tpu.memory_space<vmem>>
      %dma_start3A_119 = tpu.memref_squeeze %dma_start3A_118 : memref<1x128x16xf32, #tpu.memory_space<vmem>> -> memref<128x16xf32, #tpu.memory_space<vmem>>
      %dma_start3A_120 = arith.constant 0 : i32
      %dma_start3A_121 = tpu.memref_slice %arg6[%add3A_116, %dma_start3A_120] : memref<96x128xi32, #tpu.memory_space<vmem>> -> memref<1x128xi32, #tpu.memory_space<vmem>>
      %dma_start3A_122 = tpu.memref_squeeze %dma_start3A_121 : memref<1x128xi32, #tpu.memory_space<vmem>> -> memref<128xi32, #tpu.memory_space<vmem>>
      %dma_start3A_123 = arith.constant 0 : i32
      %dma_start3A_124 = arith.constant 0 : i32
      %dma_start3A_125 = tpu.memref_slice %arg2[%dma_start3A_123, %dma_start3A_124] : memref<10000x16xf32, #tpu.memory_space<hbm>> -> memref<10000x16xf32, #tpu.memory_space<hbm>>
      tpu.enqueue_indirect_dma source(%dma_start3A_125 : memref<10000x16xf32, #tpu.memory_space<hbm>>) target(%dma_start3A_119 : memref<128x16xf32, #tpu.memory_space<vmem>>) offsets(%dma_start3A_122 : memref<128xi32, #tpu.memory_space<vmem>>) semaphore(%arg9 : memref<!tpu.dma_semaphore, #tpu.memory_space<semaphore_mem>>)
    }
    %while3A_92 = arith.constant 0 : i32
    %while3A_93 = arith.constant 0 : i32
    %while3A_94 = arith.subi %select_n3A_75, %while3A_93 : i32
    %while3A_95 = arith.addi %while3A_93, %while3A_94 : i32
    %while3A_96 = arith.constant 1 : i32
    %while3A_97 = arith.divsi %while3A_94, %while3A_96 : i32
    %while3A_98 = arith.muli %while3A_97, %while3A_96 : i32
    %while3A_99 = arith.addi %while3A_93, %while3A_98 : i32
    %while3A_100 = arith.constant 1 : i32
    scf.for %while3A_115 = %while3A_93 to %while3A_99 step %while3A_100  : i32 {
      %rem3A_116 = arith.constant 24 : i32
      %rem3A_117 = arith.remsi %while3A_115, %rem3A_116 : i32
      %dma_wait3A = arith.constant 0 : i32
      %dma_wait3A_118 = arith.constant 0 : i32
      %dma_wait3A_119 = tpu.memref_slice %arg8[%rem3A_117, %dma_wait3A, %dma_wait3A_118] : memref<24x128x16xf32, #tpu.memory_space<vmem>> -> memref<1x128x16xf32, #tpu.memory_space<vmem>>
      %dma_wait3A_120 = tpu.memref_squeeze %dma_wait3A_119 : memref<1x128x16xf32, #tpu.memory_space<vmem>> -> memref<128x16xf32, #tpu.memory_space<vmem>>
      %dma_wait3A_121 = arith.constant 0 : i32
      %dma_wait3A_122 = arith.constant 0 : i32
      %dma_wait3A_123 = tpu.memref_slice %arg2[%dma_wait3A_121, %dma_wait3A_122] : memref<10000x16xf32, #tpu.memory_space<hbm>> -> memref<128x16xf32, #tpu.memory_space<hbm>>
      %dma_wait3A_124 = arith.constant 0 : i32
      %dma_wait3A_125 = arith.constant 0 : i32
      %dma_wait3A_126 = tpu.memref_slice %arg8[%rem3A_117, %dma_wait3A_124, %dma_wait3A_125] : memref<24x128x16xf32, #tpu.memory_space<vmem>> -> memref<1x128x16xf32, #tpu.memory_space<vmem>>
      %dma_wait3A_127 = tpu.memref_squeeze %dma_wait3A_126 : memref<1x128x16xf32, #tpu.memory_space<vmem>> -> memref<128x16xf32, #tpu.memory_space<vmem>>
      %dma_wait3A_128 = arith.constant 0 : i32
      %dma_wait3A_129 = arith.constant 0 : i32
      %dma_wait3A_130 = tpu.memref_slice %arg2[%dma_wait3A_128, %dma_wait3A_129] : memref<10000x16xf32, #tpu.memory_space<hbm>> -> memref<128x16xf32, #tpu.memory_space<hbm>>
      tpu.wait_dma2 semaphore(%arg9 : memref<!tpu.dma_semaphore, #tpu.memory_space<semaphore_mem>>) src(%dma_wait3A_130 : memref<128x16xf32, #tpu.memory_space<hbm>>) dst(%dma_wait3A_127 : memref<128x16xf32, #tpu.memory_space<vmem>>)
      %add3A_131 = arith.addi %sub3A_77, %while3A_115 : i32
      %dma_start3A = arith.constant 0 : i32
      %dma_start3A_132 = arith.constant 0 : i32
      %dma_start3A_133 = tpu.memref_slice %arg8[%rem3A_117, %dma_start3A, %dma_start3A_132] : memref<24x128x16xf32, #tpu.memory_space<vmem>> -> memref<1x128x16xf32, #tpu.memory_space<vmem>>
      %dma_start3A_134 = tpu.memref_squeeze %dma_start3A_133 : memref<1x128x16xf32, #tpu.memory_space<vmem>> -> memref<128x16xf32, #tpu.memory_space<vmem>>
      %dma_start3A_135 = arith.constant 0 : i32
      %dma_start3A_136 = tpu.memref_slice %arg7[%add3A_131, %dma_start3A_135] : memref<96x128xi32, #tpu.memory_space<vmem>> -> memref<1x128xi32, #tpu.memory_space<vmem>>
      %dma_start3A_137 = tpu.memref_squeeze %dma_start3A_136 : memref<1x128xi32, #tpu.memory_space<vmem>> -> memref<128xi32, #tpu.memory_space<vmem>>
      %dma_start3A_138 = arith.constant 0 : i32
      %dma_start3A_139 = arith.constant 0 : i32
      %dma_start3A_140 = tpu.memref_slice %arg11[%dma_start3A_138, %dma_start3A_139] : memref<10112x16xf32, #tpu.memory_space<vmem_shared>> -> memref<10112x16xf32, #tpu.memory_space<vmem_shared>>
      tpu.enqueue_indirect_dma source(%dma_start3A_134 : memref<128x16xf32, #tpu.memory_space<vmem>>) target(%dma_start3A_140 : memref<10112x16xf32, #tpu.memory_space<vmem_shared>>) offsets(%dma_start3A_137 : memref<128xi32, #tpu.memory_space<vmem>>) semaphore(%arg10 : memref<!tpu.dma_semaphore, #tpu.memory_space<semaphore_mem>>) {add = true}
      %ge3A = arith.constant 12 : i32
      %ge3A_141 = arith.cmpi sge, %while3A_115, %ge3A : i32
      %convert_element_type3A = arith.extui %ge3A_141 : i1 to i32
      %cond3A = arith.constant 0 : i32
      %cond3A_142 = arith.cmpi ne, %convert_element_type3A, %cond3A : i32
      scf.if %cond3A_142 {
        %dma_wait3A_148 = arith.constant 0 : i32
        %dma_wait3A_149 = arith.constant 0 : i32
        %dma_wait3A_150 = tpu.memref_slice %arg8[%rem3A_117, %dma_wait3A_148, %dma_wait3A_149] : memref<24x128x16xf32, #tpu.memory_space<vmem>> -> memref<1x128x16xf32, #tpu.memory_space<vmem>>
        %dma_wait3A_151 = tpu.memref_squeeze %dma_wait3A_150 : memref<1x128x16xf32, #tpu.memory_space<vmem>> -> memref<128x16xf32, #tpu.memory_space<vmem>>
        %dma_wait3A_152 = arith.constant 0 : i32
        %dma_wait3A_153 = arith.constant 0 : i32
        %dma_wait3A_154 = tpu.memref_slice %arg2[%dma_wait3A_152, %dma_wait3A_153] : memref<10000x16xf32, #tpu.memory_space<hbm>> -> memref<128x16xf32, #tpu.memory_space<hbm>>
        %dma_wait3A_155 = arith.constant 0 : i32
        %dma_wait3A_156 = arith.constant 0 : i32
        %dma_wait3A_157 = tpu.memref_slice %arg8[%rem3A_117, %dma_wait3A_155, %dma_wait3A_156] : memref<24x128x16xf32, #tpu.memory_space<vmem>> -> memref<1x128x16xf32, #tpu.memory_space<vmem>>
        %dma_wait3A_158 = tpu.memref_squeeze %dma_wait3A_157 : memref<1x128x16xf32, #tpu.memory_space<vmem>> -> memref<128x16xf32, #tpu.memory_space<vmem>>
        %dma_wait3A_159 = arith.constant 0 : i32
        %dma_wait3A_160 = arith.constant 0 : i32
        %dma_wait3A_161 = tpu.memref_slice %arg2[%dma_wait3A_159, %dma_wait3A_160] : memref<10000x16xf32, #tpu.memory_space<hbm>> -> memref<128x16xf32, #tpu.memory_space<hbm>>
        tpu.wait_dma2 semaphore(%arg10 : memref<!tpu.dma_semaphore, #tpu.memory_space<semaphore_mem>>) src(%dma_wait3A_161 : memref<128x16xf32, #tpu.memory_space<hbm>>) dst(%dma_wait3A_158 : memref<128x16xf32, #tpu.memory_space<vmem>>)
      } else {
      }
      %add3A_143 = arith.constant 12 : i32
      %add3A_144 = arith.addi %while3A_115, %add3A_143 : i32
      %lt3A = arith.cmpi slt, %add3A_144, %select_n3A_75 : i32
      %convert_element_type3A_145 = arith.extui %lt3A : i1 to i32
      %cond3A_146 = arith.constant 0 : i32
      %cond3A_147 = arith.cmpi ne, %convert_element_type3A_145, %cond3A_146 : i32
      scf.if %cond3A_147 {
        %add3A_148 = arith.addi %sub3A_77, %while3A_115 : i32
        %add3A_149 = arith.constant 12 : i32
        %add3A_150 = arith.addi %add3A_148, %add3A_149 : i32
        %add3A_151 = arith.constant 12 : i32
        %add3A_152 = arith.addi %while3A_115, %add3A_151 : i32
        %rem3A_153 = arith.constant 24 : i32
        %rem3A_154 = arith.remsi %add3A_152, %rem3A_153 : i32
        %dma_start3A_155 = arith.constant 0 : i32
        %dma_start3A_156 = arith.constant 0 : i32
        %dma_start3A_157 = tpu.memref_slice %arg8[%rem3A_154, %dma_start3A_155, %dma_start3A_156] : memref<24x128x16xf32, #tpu.memory_space<vmem>> -> memref<1x128x16xf32, #tpu.memory_space<vmem>>
        %dma_start3A_158 = tpu.memref_squeeze %dma_start3A_157 : memref<1x128x16xf32, #tpu.memory_space<vmem>> -> memref<128x16xf32, #tpu.memory_space<vmem>>
        %dma_start3A_159 = arith.constant 0 : i32
        %dma_start3A_160 = tpu.memref_slice %arg6[%add3A_150, %dma_start3A_159] : memref<96x128xi32, #tpu.memory_space<vmem>> -> memref<1x128xi32, #tpu.memory_space<vmem>>
        %dma_start3A_161 = tpu.memref_squeeze %dma_start3A_160 : memref<1x128xi32, #tpu.memory_space<vmem>> -> memref<128xi32, #tpu.memory_space<vmem>>
        %dma_start3A_162 = arith.constant 0 : i32
        %dma_start3A_163 = arith.constant 0 : i32
        %dma_start3A_164 = tpu.memref_slice %arg2[%dma_start3A_162, %dma_start3A_163] : memref<10000x16xf32, #tpu.memory_space<hbm>> -> memref<10000x16xf32, #tpu.memory_space<hbm>>
        tpu.enqueue_indirect_dma source(%dma_start3A_164 : memref<10000x16xf32, #tpu.memory_space<hbm>>) target(%dma_start3A_158 : memref<128x16xf32, #tpu.memory_space<vmem>>) offsets(%dma_start3A_161 : memref<128xi32, #tpu.memory_space<vmem>>) semaphore(%arg9 : memref<!tpu.dma_semaphore, #tpu.memory_space<semaphore_mem>>)
      } else {
      }
    }
    %while3A_101 = arith.constant 1 : i32
    scf.for %while3A_115 = %while3A_99 to %while3A_95 step %while3A_101  : i32 {
      %rem3A_116 = arith.constant 24 : i32
      %rem3A_117 = arith.remsi %while3A_115, %rem3A_116 : i32
      %dma_wait3A = arith.constant 0 : i32
      %dma_wait3A_118 = arith.constant 0 : i32
      %dma_wait3A_119 = tpu.memref_slice %arg8[%rem3A_117, %dma_wait3A, %dma_wait3A_118] : memref<24x128x16xf32, #tpu.memory_space<vmem>> -> memref<1x128x16xf32, #tpu.memory_space<vmem>>
      %dma_wait3A_120 = tpu.memref_squeeze %dma_wait3A_119 : memref<1x128x16xf32, #tpu.memory_space<vmem>> -> memref<128x16xf32, #tpu.memory_space<vmem>>
      %dma_wait3A_121 = arith.constant 0 : i32
      %dma_wait3A_122 = arith.constant 0 : i32
      %dma_wait3A_123 = tpu.memref_slice %arg2[%dma_wait3A_121, %dma_wait3A_122] : memref<10000x16xf32, #tpu.memory_space<hbm>> -> memref<128x16xf32, #tpu.memory_space<hbm>>
      %dma_wait3A_124 = arith.constant 0 : i32
      %dma_wait3A_125 = arith.constant 0 : i32
      %dma_wait3A_126 = tpu.memref_slice %arg8[%rem3A_117, %dma_wait3A_124, %dma_wait3A_125] : memref<24x128x16xf32, #tpu.memory_space<vmem>> -> memref<1x128x16xf32, #tpu.memory_space<vmem>>
      %dma_wait3A_127 = tpu.memref_squeeze %dma_wait3A_126 : memref<1x128x16xf32, #tpu.memory_space<vmem>> -> memref<128x16xf32, #tpu.memory_space<vmem>>
      %dma_wait3A_128 = arith.constant 0 : i32
      %dma_wait3A_129 = arith.constant 0 : i32
      %dma_wait3A_130 = tpu.memref_slice %arg2[%dma_wait3A_128, %dma_wait3A_129] : memref<10000x16xf32, #tpu.memory_space<hbm>> -> memref<128x16xf32, #tpu.memory_space<hbm>>
      tpu.wait_dma2 semaphore(%arg9 : memref<!tpu.dma_semaphore, #tpu.memory_space<semaphore_mem>>) src(%dma_wait3A_130 : memref<128x16xf32, #tpu.memory_space<hbm>>) dst(%dma_wait3A_127 : memref<128x16xf32, #tpu.memory_space<vmem>>)
      %add3A_131 = arith.addi %sub3A_77, %while3A_115 : i32
      %dma_start3A = arith.constant 0 : i32
      %dma_start3A_132 = arith.constant 0 : i32
      %dma_start3A_133 = tpu.memref_slice %arg8[%rem3A_117, %dma_start3A, %dma_start3A_132] : memref<24x128x16xf32, #tpu.memory_space<vmem>> -> memref<1x128x16xf32, #tpu.memory_space<vmem>>
      %dma_start3A_134 = tpu.memref_squeeze %dma_start3A_133 : memref<1x128x16xf32, #tpu.memory_space<vmem>> -> memref<128x16xf32, #tpu.memory_space<vmem>>
      %dma_start3A_135 = arith.constant 0 : i32
      %dma_start3A_136 = tpu.memref_slice %arg7[%add3A_131, %dma_start3A_135] : memref<96x128xi32, #tpu.memory_space<vmem>> -> memref<1x128xi32, #tpu.memory_space<vmem>>
      %dma_start3A_137 = tpu.memref_squeeze %dma_start3A_136 : memref<1x128xi32, #tpu.memory_space<vmem>> -> memref<128xi32, #tpu.memory_space<vmem>>
      %dma_start3A_138 = arith.constant 0 : i32
      %dma_start3A_139 = arith.constant 0 : i32
      %dma_start3A_140 = tpu.memref_slice %arg11[%dma_start3A_138, %dma_start3A_139] : memref<10112x16xf32, #tpu.memory_space<vmem_shared>> -> memref<10112x16xf32, #tpu.memory_space<vmem_shared>>
      tpu.enqueue_indirect_dma source(%dma_start3A_134 : memref<128x16xf32, #tpu.memory_space<vmem>>) target(%dma_start3A_140 : memref<10112x16xf32, #tpu.memory_space<vmem_shared>>) offsets(%dma_start3A_137 : memref<128xi32, #tpu.memory_space<vmem>>) semaphore(%arg10 : memref<!tpu.dma_semaphore, #tpu.memory_space<semaphore_mem>>) {add = true}
      %ge3A = arith.constant 12 : i32
      %ge3A_141 = arith.cmpi sge, %while3A_115, %ge3A : i32
      %convert_element_type3A = arith.extui %ge3A_141 : i1 to i32
      %cond3A = arith.constant 0 : i32
      %cond3A_142 = arith.cmpi ne, %convert_element_type3A, %cond3A : i32
      scf.if %cond3A_142 {
        %dma_wait3A_148 = arith.constant 0 : i32
        %dma_wait3A_149 = arith.constant 0 : i32
        %dma_wait3A_150 = tpu.memref_slice %arg8[%rem3A_117, %dma_wait3A_148, %dma_wait3A_149] : memref<24x128x16xf32, #tpu.memory_space<vmem>> -> memref<1x128x16xf32, #tpu.memory_space<vmem>>
        %dma_wait3A_151 = tpu.memref_squeeze %dma_wait3A_150 : memref<1x128x16xf32, #tpu.memory_space<vmem>> -> memref<128x16xf32, #tpu.memory_space<vmem>>
        %dma_wait3A_152 = arith.constant 0 : i32
        %dma_wait3A_153 = arith.constant 0 : i32
        %dma_wait3A_154 = tpu.memref_slice %arg2[%dma_wait3A_152, %dma_wait3A_153] : memref<10000x16xf32, #tpu.memory_space<hbm>> -> memref<128x16xf32, #tpu.memory_space<hbm>>
        %dma_wait3A_155 = arith.constant 0 : i32
        %dma_wait3A_156 = arith.constant 0 : i32
        %dma_wait3A_157 = tpu.memref_slice %arg8[%rem3A_117, %dma_wait3A_155, %dma_wait3A_156] : memref<24x128x16xf32, #tpu.memory_space<vmem>> -> memref<1x128x16xf32, #tpu.memory_space<vmem>>
        %dma_wait3A_158 = tpu.memref_squeeze %dma_wait3A_157 : memref<1x128x16xf32, #tpu.memory_space<vmem>> -> memref<128x16xf32, #tpu.memory_space<vmem>>
        %dma_wait3A_159 = arith.constant 0 : i32
        %dma_wait3A_160 = arith.constant 0 : i32
        %dma_wait3A_161 = tpu.memref_slice %arg2[%dma_wait3A_159, %dma_wait3A_160] : memref<10000x16xf32, #tpu.memory_space<hbm>> -> memref<128x16xf32, #tpu.memory_space<hbm>>
        tpu.wait_dma2 semaphore(%arg10 : memref<!tpu.dma_semaphore, #tpu.memory_space<semaphore_mem>>) src(%dma_wait3A_161 : memref<128x16xf32, #tpu.memory_space<hbm>>) dst(%dma_wait3A_158 : memref<128x16xf32, #tpu.memory_space<vmem>>)
      } else {
      }
      %add3A_143 = arith.constant 12 : i32
      %add3A_144 = arith.addi %while3A_115, %add3A_143 : i32
      %lt3A = arith.cmpi slt, %add3A_144, %select_n3A_75 : i32
      %convert_element_type3A_145 = arith.extui %lt3A : i1 to i32
      %cond3A_146 = arith.constant 0 : i32
      %cond3A_147 = arith.cmpi ne, %convert_element_type3A_145, %cond3A_146 : i32
      scf.if %cond3A_147 {
        %add3A_148 = arith.addi %sub3A_77, %while3A_115 : i32
        %add3A_149 = arith.constant 12 : i32
        %add3A_150 = arith.addi %add3A_148, %add3A_149 : i32
        %add3A_151 = arith.constant 12 : i32
        %add3A_152 = arith.addi %while3A_115, %add3A_151 : i32
        %rem3A_153 = arith.constant 24 : i32
        %rem3A_154 = arith.remsi %add3A_152, %rem3A_153 : i32
        %dma_start3A_155 = arith.constant 0 : i32
        %dma_start3A_156 = arith.constant 0 : i32
        %dma_start3A_157 = tpu.memref_slice %arg8[%rem3A_154, %dma_start3A_155, %dma_start3A_156] : memref<24x128x16xf32, #tpu.memory_space<vmem>> -> memref<1x128x16xf32, #tpu.memory_space<vmem>>
        %dma_start3A_158 = tpu.memref_squeeze %dma_start3A_157 : memref<1x128x16xf32, #tpu.memory_space<vmem>> -> memref<128x16xf32, #tpu.memory_space<vmem>>
        %dma_start3A_159 = arith.constant 0 : i32
        %dma_start3A_160 = tpu.memref_slice %arg6[%add3A_150, %dma_start3A_159] : memref<96x128xi32, #tpu.memory_space<vmem>> -> memref<1x128xi32, #tpu.memory_space<vmem>>
        %dma_start3A_161 = tpu.memref_squeeze %dma_start3A_160 : memref<1x128xi32, #tpu.memory_space<vmem>> -> memref<128xi32, #tpu.memory_space<vmem>>
        %dma_start3A_162 = arith.constant 0 : i32
        %dma_start3A_163 = arith.constant 0 : i32
        %dma_start3A_164 = tpu.memref_slice %arg2[%dma_start3A_162, %dma_start3A_163] : memref<10000x16xf32, #tpu.memory_space<hbm>> -> memref<10000x16xf32, #tpu.memory_space<hbm>>
        tpu.enqueue_indirect_dma source(%dma_start3A_164 : memref<10000x16xf32, #tpu.memory_space<hbm>>) target(%dma_start3A_158 : memref<128x16xf32, #tpu.memory_space<vmem>>) offsets(%dma_start3A_161 : memref<128xi32, #tpu.memory_space<vmem>>) semaphore(%arg9 : memref<!tpu.dma_semaphore, #tpu.memory_space<semaphore_mem>>)
      } else {
      }
    }
    %min3A_102 = arith.constant 12 : i32
    %min3A_103 = arith.minsi %min3A_102, %select_n3A_75 : i32
    %while3A_104 = arith.constant 0 : i32
    %while3A_105 = arith.constant 0 : i32
    %while3A_106 = arith.subi %min3A_103, %while3A_105 : i32
    %while3A_107 = arith.addi %while3A_105, %while3A_106 : i32
    %while3A_108 = arith.constant 1 : i32
    %while3A_109 = arith.divsi %while3A_106, %while3A_108 : i32
    %while3A_110 = arith.muli %while3A_109, %while3A_108 : i32
    %while3A_111 = arith.addi %while3A_105, %while3A_110 : i32
    %while3A_112 = arith.constant 1 : i32
    scf.for %while3A_115 = %while3A_105 to %while3A_111 step %while3A_112  : i32 {
      %dma_wait3A = arith.constant 0 : i32
      %dma_wait3A_116 = arith.constant 0 : i32
      %dma_wait3A_117 = arith.constant 0 : i32
      %dma_wait3A_118 = tpu.memref_slice %arg8[%dma_wait3A, %dma_wait3A_116, %dma_wait3A_117] : memref<24x128x16xf32, #tpu.memory_space<vmem>> -> memref<1x128x16xf32, #tpu.memory_space<vmem>>
      %dma_wait3A_119 = tpu.memref_squeeze %dma_wait3A_118 : memref<1x128x16xf32, #tpu.memory_space<vmem>> -> memref<128x16xf32, #tpu.memory_space<vmem>>
      %dma_wait3A_120 = arith.constant 0 : i32
      %dma_wait3A_121 = arith.constant 0 : i32
      %dma_wait3A_122 = tpu.memref_slice %arg2[%dma_wait3A_120, %dma_wait3A_121] : memref<10000x16xf32, #tpu.memory_space<hbm>> -> memref<128x16xf32, #tpu.memory_space<hbm>>
      %dma_wait3A_123 = arith.constant 0 : i32
      %dma_wait3A_124 = arith.constant 0 : i32
      %dma_wait3A_125 = tpu.memref_slice %arg8[%dma_wait3A, %dma_wait3A_123, %dma_wait3A_124] : memref<24x128x16xf32, #tpu.memory_space<vmem>> -> memref<1x128x16xf32, #tpu.memory_space<vmem>>
      %dma_wait3A_126 = tpu.memref_squeeze %dma_wait3A_125 : memref<1x128x16xf32, #tpu.memory_space<vmem>> -> memref<128x16xf32, #tpu.memory_space<vmem>>
      %dma_wait3A_127 = arith.constant 0 : i32
      %dma_wait3A_128 = arith.constant 0 : i32
      %dma_wait3A_129 = tpu.memref_slice %arg2[%dma_wait3A_127, %dma_wait3A_128] : memref<10000x16xf32, #tpu.memory_space<hbm>> -> memref<128x16xf32, #tpu.memory_space<hbm>>
      tpu.wait_dma2 semaphore(%arg10 : memref<!tpu.dma_semaphore, #tpu.memory_space<semaphore_mem>>) src(%dma_wait3A_129 : memref<128x16xf32, #tpu.memory_space<hbm>>) dst(%dma_wait3A_126 : memref<128x16xf32, #tpu.memory_space<vmem>>)
    }
    %while3A_113 = arith.constant 1 : i32
    scf.for %while3A_115 = %while3A_111 to %while3A_107 step %while3A_113  : i32 {
      %dma_wait3A = arith.constant 0 : i32
      %dma_wait3A_116 = arith.constant 0 : i32
      %dma_wait3A_117 = arith.constant 0 : i32
      %dma_wait3A_118 = tpu.memref_slice %arg8[%dma_wait3A, %dma_wait3A_116, %dma_wait3A_117] : memref<24x128x16xf32, #tpu.memory_space<vmem>> -> memref<1x128x16xf32, #tpu.memory_space<vmem>>
      %dma_wait3A_119 = tpu.memref_squeeze %dma_wait3A_118 : memref<1x128x16xf32, #tpu.memory_space<vmem>> -> memref<128x16xf32, #tpu.memory_space<vmem>>
      %dma_wait3A_120 = arith.constant 0 : i32
      %dma_wait3A_121 = arith.constant 0 : i32
      %dma_wait3A_122 = tpu.memref_slice %arg2[%dma_wait3A_120, %dma_wait3A_121] : memref<10000x16xf32, #tpu.memory_space<hbm>> -> memref<128x16xf32, #tpu.memory_space<hbm>>
      %dma_wait3A_123 = arith.constant 0 : i32
      %dma_wait3A_124 = arith.constant 0 : i32
      %dma_wait3A_125 = tpu.memref_slice %arg8[%dma_wait3A, %dma_wait3A_123, %dma_wait3A_124] : memref<24x128x16xf32, #tpu.memory_space<vmem>> -> memref<1x128x16xf32, #tpu.memory_space<vmem>>
      %dma_wait3A_126 = tpu.memref_squeeze %dma_wait3A_125 : memref<1x128x16xf32, #tpu.memory_space<vmem>> -> memref<128x16xf32, #tpu.memory_space<vmem>>
      %dma_wait3A_127 = arith.constant 0 : i32
      %dma_wait3A_128 = arith.constant 0 : i32
      %dma_wait3A_129 = tpu.memref_slice %arg2[%dma_wait3A_127, %dma_wait3A_128] : memref<10000x16xf32, #tpu.memory_space<hbm>> -> memref<128x16xf32, #tpu.memory_space<hbm>>
      tpu.wait_dma2 semaphore(%arg10 : memref<!tpu.dma_semaphore, #tpu.memory_space<semaphore_mem>>) src(%dma_wait3A_129 : memref<128x16xf32, #tpu.memory_space<hbm>>) dst(%dma_wait3A_126 : memref<128x16xf32, #tpu.memory_space<vmem>>)
    }
    %barrier3A_114 = arith.constant 0 : index
    tpu.barrier barrier_id(%barrier3A_114)
    "tpu.region"() ({
      %run_scoped3A_115 = tpu.sem_alloc : memref<!tpu.dma_semaphore, #tpu.memory_space<semaphore_mem>>
      %dma_start3A = arith.constant 0 : i32
      %dma_start3A_116 = tpu.memref_slice %arg5[%arg0, %mul3A_79, %dma_start3A] : memref<2x10112x16xf32, #tpu.memory_space<hbm>> -> memref<1x632x16xf32, #tpu.memory_space<hbm>>
      %dma_start3A_117 = tpu.memref_squeeze %dma_start3A_116 : memref<1x632x16xf32, #tpu.memory_space<hbm>> -> memref<632x16xf32, #tpu.memory_space<hbm>>
      %dma_start3A_118 = arith.constant 0 : i32
      %dma_start3A_119 = tpu.memref_slice %arg11[%mul3A_79, %dma_start3A_118] : memref<10112x16xf32, #tpu.memory_space<vmem_shared>> -> memref<632x16xf32, #tpu.memory_space<vmem_shared>>
      tpu.enqueue_dma source(%dma_start3A_119 : memref<632x16xf32, #tpu.memory_space<vmem_shared>>) target(%dma_start3A_117 : memref<632x16xf32, #tpu.memory_space<hbm>>) target_semaphore(%run_scoped3A_115 : memref<!tpu.dma_semaphore, #tpu.memory_space<semaphore_mem>>)
      %dma_wait3A = arith.constant 0 : i32
      %dma_wait3A_120 = tpu.memref_slice %arg5[%arg0, %mul3A_79, %dma_wait3A] : memref<2x10112x16xf32, #tpu.memory_space<hbm>> -> memref<1x632x16xf32, #tpu.memory_space<hbm>>
      %dma_wait3A_121 = tpu.memref_squeeze %dma_wait3A_120 : memref<1x632x16xf32, #tpu.memory_space<hbm>> -> memref<632x16xf32, #tpu.memory_space<hbm>>
      %dma_wait3A_122 = arith.constant 0 : i32
      %dma_wait3A_123 = tpu.memref_slice %arg11[%mul3A_79, %dma_wait3A_122] : memref<10112x16xf32, #tpu.memory_space<vmem_shared>> -> memref<632x16xf32, #tpu.memory_space<vmem_shared>>
      tpu.wait_dma2 semaphore(%run_scoped3A_115 : memref<!tpu.dma_semaphore, #tpu.memory_space<semaphore_mem>>) src(%dma_wait3A_123 : memref<632x16xf32, #tpu.memory_space<vmem_shared>>) dst(%dma_wait3A_121 : memref<632x16xf32, #tpu.memory_space<hbm>>)
      tpu.yield
    }) : () -> ()
    return
  }
}

module attributes {stable_mosaic.version = 14 : i64} {
  func.func @_tc1a_body(%arg0: memref<1250x1024xf32, #tpu.memory_space<vmem>>, %arg1: memref<1024x128xf32, #tpu.memory_space<vmem>>, %arg2: memref<1250x128xf32, #tpu.memory_space<vmem>>) attributes {dimension_semantics = [], scalar_prefetch = 0 : i64, scratch_operands = 0 : i64, tpu.core_type = #tpu.core_type<tc>} {
    %get3A = arith.constant 0 : index
    %get3A_0 = arith.constant 0 : index
    %get3A_1 = vector.load %arg0[%get3A, %get3A_0] : memref<1250x1024xf32, #tpu.memory_space<vmem>>, vector<1250x1024xf32>
    %get3A_2 = arith.constant 0 : index
    %get3A_3 = arith.constant 0 : index
    %get3A_4 = vector.load %arg1[%get3A_2, %get3A_3] : memref<1024x128xf32, #tpu.memory_space<vmem>>, vector<1024x128xf32>
    %dot_general3A = arith.constant dense<0.000000e+00> : vector<1250x128xf32>
    %dot_general3A_5 = tpu.matmul %get3A_1, %get3A_4, %dot_general3A {dimension_numbers = #tpu.dot_dimension_numbers<[1], [0], [0], [1], [0, 0, 1, 1], [], []>, transpose_lhs_hint = false} : vector<1250x1024xf32>, vector<1024x128xf32>, vector<1250x128xf32> -> vector<1250x128xf32>
    %swap3A = arith.constant 0 : index
    %swap3A_6 = arith.constant 0 : index
    %swap3A_7 = vector.load %arg2[%swap3A, %swap3A_6] : memref<1250x128xf32, #tpu.memory_space<vmem>>, vector<1250x128xf32>
    tpu.vector_store %arg2[%swap3A, %swap3A_6], %dot_general3A_5 {strides = array<i32>} : memref<1250x128xf32, #tpu.memory_space<vmem>>, vector<1250x128xf32>,
    return
  }
}

module attributes {stable_mosaic.version = 14 : i64} {
  func.func @_tc1b_body(%arg0: memref<1250x128xf32, #tpu.memory_space<vmem>>, %arg1: memref<2x1264x128xf32, #tpu.memory_space<vmem>>, %arg2: memref<1250x128xf32, #tpu.memory_space<vmem>>, %arg3: memref<1250x128xf32, #tpu.memory_space<vmem>>) attributes {dimension_semantics = [], scalar_prefetch = 0 : i64, scratch_operands = 0 : i64, tpu.core_type = #tpu.core_type<tc>} {
    %get3A = arith.constant 0 : index
    %get3A_0 = arith.constant 0 : index
    %get3A_1 = arith.constant 0 : index
    %get3A_2 = vector.load %arg1[%get3A, %get3A_0, %get3A_1] : memref<2x1264x128xf32, #tpu.memory_space<vmem>>, vector<1x1250x128xf32>
    %get3A_3 = vector.shape_cast %get3A_2 : vector<1x1250x128xf32> to vector<1250x128xf32>
    %get3A_4 = arith.constant 1 : index
    %get3A_5 = arith.constant 0 : index
    %get3A_6 = arith.constant 0 : index
    %get3A_7 = vector.load %arg1[%get3A_4, %get3A_5, %get3A_6] : memref<2x1264x128xf32, #tpu.memory_space<vmem>>, vector<1x1250x128xf32>
    %get3A_8 = vector.shape_cast %get3A_7 : vector<1x1250x128xf32> to vector<1250x128xf32>
    %add3A = arith.addf %get3A_3, %get3A_8 : vector<1250x128xf32>
    %add3A_9 = arith.constant 1.000000e+00 : f32
    %add3A_10 = vector.broadcast %add3A_9 : f32 to vector<1250x128xf32>
    %add3A_11 = arith.addf %add3A, %add3A_10 : vector<1250x128xf32>
    %rsqrt3A = math.rsqrt %add3A_11 : vector<1250x128xf32>
    %get3A_12 = arith.constant 0 : index
    %get3A_13 = arith.constant 0 : index
    %get3A_14 = vector.load %arg0[%get3A_12, %get3A_13] : memref<1250x128xf32, #tpu.memory_space<vmem>>, vector<1250x128xf32>
    %mul3A = arith.mulf %get3A_14, %rsqrt3A : vector<1250x128xf32>
    %swap3A = arith.constant 0 : index
    %swap3A_15 = arith.constant 0 : index
    %swap3A_16 = vector.load %arg2[%swap3A, %swap3A_15] : memref<1250x128xf32, #tpu.memory_space<vmem>>, vector<1250x128xf32>
    tpu.vector_store %arg2[%swap3A, %swap3A_15], %mul3A {strides = array<i32>} : memref<1250x128xf32, #tpu.memory_space<vmem>>, vector<1250x128xf32>,
    %swap3A_17 = arith.constant 0 : index
    %swap3A_18 = arith.constant 0 : index
    %swap3A_19 = vector.load %arg3[%swap3A_17, %swap3A_18] : memref<1250x128xf32, #tpu.memory_space<vmem>>, vector<1250x128xf32>
    tpu.vector_store %arg3[%swap3A_17, %swap3A_18], %rsqrt3A {strides = array<i32>} : memref<1250x128xf32, #tpu.memory_space<vmem>>, vector<1250x128xf32>,
    return
  }
}

module attributes {stable_mosaic.version = 14 : i64} {
  func.func @_tc2_body(%arg0: memref<2x1264x128xf32, #tpu.memory_space<vmem>>, %arg1: memref<1250x128xf32, #tpu.memory_space<vmem>>, %arg2: memref<1250x128xf32, #tpu.memory_space<vmem>>, %arg3: memref<1x128xf32, #tpu.memory_space<vmem>>, %arg4: memref<1250x128xf32, #tpu.memory_space<vmem>>) attributes {dimension_semantics = [], scalar_prefetch = 0 : i64, scratch_operands = 0 : i64, tpu.core_type = #tpu.core_type<tc>} {
    %get3A = arith.constant 0 : index
    %get3A_0 = arith.constant 0 : index
    %get3A_1 = arith.constant 0 : index
    %get3A_2 = vector.load %arg0[%get3A, %get3A_0, %get3A_1] : memref<2x1264x128xf32, #tpu.memory_space<vmem>>, vector<1x1250x128xf32>
    %get3A_3 = vector.shape_cast %get3A_2 : vector<1x1250x128xf32> to vector<1250x128xf32>
    %get3A_4 = arith.constant 1 : index
    %get3A_5 = arith.constant 0 : index
    %get3A_6 = arith.constant 0 : index
    %get3A_7 = vector.load %arg0[%get3A_4, %get3A_5, %get3A_6] : memref<2x1264x128xf32, #tpu.memory_space<vmem>>, vector<1x1250x128xf32>
    %get3A_8 = vector.shape_cast %get3A_7 : vector<1x1250x128xf32> to vector<1250x128xf32>
    %add3A = arith.addf %get3A_3, %get3A_8 : vector<1250x128xf32>
    %get3A_9 = arith.constant 0 : index
    %get3A_10 = arith.constant 0 : index
    %get3A_11 = vector.load %arg1[%get3A_9, %get3A_10] : memref<1250x128xf32, #tpu.memory_space<vmem>>, vector<1250x128xf32>
    %add3A_12 = arith.addf %add3A, %get3A_11 : vector<1250x128xf32>
    %get3A_13 = arith.constant 0 : index
    %get3A_14 = arith.constant 0 : index
    %get3A_15 = vector.load %arg2[%get3A_13, %get3A_14] : memref<1250x128xf32, #tpu.memory_space<vmem>>, vector<1250x128xf32>
    %mul3A = arith.mulf %get3A_15, %add3A_12 : vector<1250x128xf32>
    %get3A_16 = arith.constant 0 : index
    %get3A_17 = arith.constant 0 : index
    %get3A_18 = vector.load %arg3[%get3A_16, %get3A_17] : memref<1x128xf32, #tpu.memory_space<vmem>>, vector<1x128xf32>
    %add3A_19 = vector.broadcast %get3A_18 : vector<1x128xf32> to vector<1250x128xf32>
    %add3A_20 = arith.addf %mul3A, %add3A_19 : vector<1250x128xf32>
    %max3A = arith.constant 0.000000e+00 : f32
    %max3A_21 = vector.broadcast %max3A : f32 to vector<1250x128xf32>
    %max3A_22 = arith.maximumf %add3A_20, %max3A_21 : vector<1250x128xf32>
    %get3A_23 = arith.constant 0 : index
    %get3A_24 = arith.constant 0 : index
    %get3A_25 = vector.load %arg2[%get3A_23, %get3A_24] : memref<1250x128xf32, #tpu.memory_space<vmem>>, vector<1250x128xf32>
    %mul3A_26 = arith.mulf %max3A_22, %get3A_25 : vector<1250x128xf32>
    %swap3A = arith.constant 0 : index
    %swap3A_27 = arith.constant 0 : index
    %swap3A_28 = vector.load %arg4[%swap3A, %swap3A_27] : memref<1250x128xf32, #tpu.memory_space<vmem>>, vector<1250x128xf32>
    tpu.vector_store %arg4[%swap3A, %swap3A_27], %mul3A_26 {strides = array<i32>} : memref<1250x128xf32, #tpu.memory_space<vmem>>, vector<1250x128xf32>,
    return
  }
}

module attributes {stable_mosaic.version = 14 : i64} {
  func.func @_tc3_body(%arg0: memref<2x1264x128xf32, #tpu.memory_space<vmem>>, %arg1: memref<1250x128xf32, #tpu.memory_space<vmem>>, %arg2: memref<1250x128xf32, #tpu.memory_space<vmem>>, %arg3: memref<128x320xf32, #tpu.memory_space<vmem>>, %arg4: memref<1x320xf32, #tpu.memory_space<vmem>>, %arg5: memref<1250x320xf32, #tpu.memory_space<vmem>>) attributes {dimension_semantics = [], scalar_prefetch = 0 : i64, scratch_operands = 0 : i64, tpu.core_type = #tpu.core_type<tc>} {
    %get3A = arith.constant 0 : index
    %get3A_0 = arith.constant 0 : index
    %get3A_1 = vector.load %arg2[%get3A, %get3A_0] : memref<1250x128xf32, #tpu.memory_space<vmem>>, vector<1250x128xf32>
    %get3A_2 = arith.constant 0 : index
    %get3A_3 = arith.constant 0 : index
    %get3A_4 = arith.constant 0 : index
    %get3A_5 = vector.load %arg0[%get3A_2, %get3A_3, %get3A_4] : memref<2x1264x128xf32, #tpu.memory_space<vmem>>, vector<1x1250x128xf32>
    %get3A_6 = vector.shape_cast %get3A_5 : vector<1x1250x128xf32> to vector<1250x128xf32>
    %get3A_7 = arith.constant 1 : index
    %get3A_8 = arith.constant 0 : index
    %get3A_9 = arith.constant 0 : index
    %get3A_10 = vector.load %arg0[%get3A_7, %get3A_8, %get3A_9] : memref<2x1264x128xf32, #tpu.memory_space<vmem>>, vector<1x1250x128xf32>
    %get3A_11 = vector.shape_cast %get3A_10 : vector<1x1250x128xf32> to vector<1250x128xf32>
    %add3A = arith.addf %get3A_6, %get3A_11 : vector<1250x128xf32>
    %get3A_12 = arith.constant 0 : index
    %get3A_13 = arith.constant 0 : index
    %get3A_14 = vector.load %arg1[%get3A_12, %get3A_13] : memref<1250x128xf32, #tpu.memory_space<vmem>>, vector<1250x128xf32>
    %add3A_15 = arith.addf %add3A, %get3A_14 : vector<1250x128xf32>
    %mul3A = arith.mulf %get3A_1, %add3A_15 : vector<1250x128xf32>
    %get3A_16 = arith.constant 0 : index
    %get3A_17 = arith.constant 0 : index
    %get3A_18 = vector.load %arg3[%get3A_16, %get3A_17] : memref<128x320xf32, #tpu.memory_space<vmem>>, vector<128x320xf32>
    %dot_general3A = arith.constant dense<0.000000e+00> : vector<1250x320xf32>
    %dot_general3A_19 = tpu.matmul %mul3A, %get3A_18, %dot_general3A {dimension_numbers = #tpu.dot_dimension_numbers<[1], [0], [0], [1], [0, 0, 1, 1], [], []>, transpose_lhs_hint = false} : vector<1250x128xf32>, vector<128x320xf32>, vector<1250x320xf32> -> vector<1250x320xf32>
    %get3A_20 = arith.constant 0 : index
    %get3A_21 = arith.constant 0 : index
    %get3A_22 = vector.load %arg4[%get3A_20, %get3A_21] : memref<1x320xf32, #tpu.memory_space<vmem>>, vector<1x320xf32>
    %add3A_23 = vector.broadcast %get3A_22 : vector<1x320xf32> to vector<1250x320xf32>
    %add3A_24 = arith.addf %dot_general3A_19, %add3A_23 : vector<1250x320xf32>
    %swap3A = arith.constant 0 : index
    %swap3A_25 = arith.constant 0 : index
    %swap3A_26 = vector.load %arg5[%swap3A, %swap3A_25] : memref<1250x320xf32, #tpu.memory_space<vmem>>, vector<1250x320xf32>
    tpu.vector_store %arg5[%swap3A, %swap3A_25], %add3A_24 {strides = array<i32>} : memref<1250x320xf32, #tpu.memory_space<vmem>>, vector<1250x320xf32>,
    return
  }
}

</mosaic_0001>

<sc_bundles>
// kernel: kernel.12.cloned.1.call-start
scs
__scs_entry_jumppad:
0x0: {  	(pc) =	sbr.rel $0x88, $3  }
0x1: {  	(tag) =	ssettag $0x0;
	lr =	simm.s32 $0x1  }
0x2: {  	[smem:$0x3F9B] =	sst lr;
	_ =	strace $0xD0000000  }
0x3: {  	_ = 	snop  }
0x4: {  	_ = 	snop  }
0x5: {  	_ = 	snop  }
0x6: {  	_ = 	snop  }
0x7: {  	_ = 	snop  }
__scs_overlays_trampoline_lowered:
0x8: {  	[smem:$0x3FAA] =	sst s0  }
0x9: {  	[smem:$0x3FAB] =	sst s1  }
0xa: {  	[smem:$0x3FAC] =	sst s2  }
0xb: {  	[smem:$0x3FAD] =	sst s3  }
0xc: {  	[smem:$0x3FAE] =	sst s4  }
0xd: {  	[smem:$0x3FAF] =	sst s5  }
0xe: {  	[smem:$0x3FB0] =	sst s6  }
0xf: {  	[smem:$0x3FB1] =	sst s7  }
0x10: {  	[smem:$0x3FB2] =	sst s8  }
0x11: {  	[smem:$0x3FB3] =	sst s9;
	s0 =	simm.s32 @!p0 $0x0  }
0x12: {  	s1 =	sld [smem:$0x3F99];
	s0 =	simm.s32 @p0 $0x1  }
0x13: {  	[smem:$0x3FB4] =	sst s0;
	s0 =	simm.s32 @!p1 $0x0  }
0x14: {  	s2 =	sld [smem:$0x3F98];
	s0 =	simm.s32 @p1 $0x1  }
0x15: {  	[smem:$0x3FB5] =	sst s0;
	s0 =	simm.s32 @!p2 $0x0  }
0x16: {  	s3 =	sld [smem:$0x3FDB];
	s0 =	simm.s32 @p2 $0x1  }
0x17: {  	s4 =	simm.s32 $0x1BF5;
	[smem:$0x3FB7] =	sst s0  }
0x18: {  	s0 =	sld [smem:$0x3F9A];
	_ =	swait.ge [sflag:s4], $0x0  }
0x19: {  	s7 =	sld [smem:$0x3F9B]  }
0x1a: {  	s8 =	sadd.s32 $0xFFFFE003, lr  }
0x1b: {  	s9 =	sadd.s32 $0xFFFFFEF7, lr;
	s5 =	simm.s32 $0xFFFFFFFF;
	p2 =	slt.u32 s8, $0xFFFFF086  }
0x1c: {  	p1 =	slt.u32 s9, $0xF7A;
	s5 =	simm.s32 @!p2 $0x0  }
0x1d: {  	s5 =	simm.s32 @p1 $0x1;
	p0 =	seq.s32 s7, s2  }
0x1e: {  	s7 =	smul.u32 @!p0 $0xF7A, s2;
	p2 =	seq.s32 @!p0 s5, $0x0  }
0x1f: {  	s9 =	smul.u32 $0xF7A, s1;
	s8 =	simm.s32 @!p0 $0x1BF5;
	p2 =	por !p2, p0  }
0x20: {  	[sflag:s8] =	ssyncset.s32 @!p0 $0xFFFFF086;
	s6 =	sadd.s32 @!p0 s3, s7;
	s7 =	simm.s32 @!p0 $0x108  }
0x21: {  	s3 =	sadd.s32 s3, s9;
	s6 =	sadd.s32 @!p0 $0x88, s6;
	s7 =	simm.s32 @p2 $0x1082  }
0x22: {  	[simem:s7], [sflag:s8] =	dma.local @!p0 [hbm:s6], $0xF7A  }
0x23: {  	s9 =	sor.u32 $0xD0000000, s2;
	s6 =	simm.s32 $0x108;
	_ =	swait.ge @!p0 [sflag:s8], $0x0  }
0x24: {  	s3 =	sadd.s32 $0x88, s3;
	s6 =	simm.s32 @!p1 $0x1082;
	[sflag:s4] =	ssyncset.s32 $0xFFFFF086  }
0x25: {  	[simem:s6], [sflag:s4] =	dma.local [hbm:s3], $0xF7A  }
0x26: {  	[smem:$0x3F9B] =	sst s1;
	(tag) =	ssettag s2;
	_ =	strace s9  }
0x27: {  	s1 =	sld [smem:$0x3FAB]  }
0x28: {  	s2 =	sld [smem:$0x3FAC]  }
0x29: {  	s4 =	sld [smem:$0x3FAE]  }
0x2a: {  	p0 =	seq.s32 s5, $0x0;
	s5 =	sld [smem:$0x3FAF]  }
0x2b: {  	s6 =	sld [smem:$0x3FB0]  }
0x2c: {  	s7 =	sld [smem:$0x3FB1]  }
0x2d: {  	s3 =	simm.s32 $0x108;
	s8 =	sld [smem:$0x3FB2]  }
0x2e: {  	s3 =	simm.s32 @!p0 $0x1082;
	s9 =	sld [smem:$0x3FB3]  }
0x2f: {  	lr =	sadd.s32 s0, s3;
	s0 =	sld [smem:$0x3FAA]  }
0x30: {  	s3 =	sld [smem:$0x3FAD]  }
0x31: {  	[smem:$0x3FB6] =	sst s10  }
0x32: {  	s10 =	sld [smem:$0x3FB4];
	_ =	sdelay $0x3  }
0x33: {  	p0 =	seq.s32 s10, $0x1;
	s10 =	sld [smem:$0x3FB6];
	_ =	sdelay $0x3  }
0x34: {  	[smem:$0x3FB6] =	sst s10  }
0x35: {  	s10 =	sld [smem:$0x3FB5];
	_ =	sdelay $0x3  }
0x36: {  	p1 =	seq.s32 s10, $0x1;
	s10 =	sld [smem:$0x3FB6];
	_ =	sdelay $0x3  }
0x37: {  	[smem:$0x3FB6] =	sst s10  }
0x38: {  	s10 =	sld [smem:$0x3FB7]  }
0x39: {  	_ = 	snop;
	(pc) =	sbr.ind lr, $3  }
0x3a: {  	_ = 	snop  }
0x3b: {  	_ = 	snop  }
0x3c: {  	p2 =	seq.s32 s10, $0x1;
	s10 =	sld [smem:$0x3FB6]  }
0x3d: {  	_ =	shalt  }
0x3e: {  	_ =	shalt  }
0x3f: {  	_ =	shalt  }
0x40: {  	_ =	shalt  }
0x41: {  	_ =	shalt  }
0x42: {  	_ =	shalt  }
0x43: {  	_ =	shalt  }
0x44: {  	_ =	shalt  }
0x45: {  	_ =	shalt  }
0x46: {  	_ =	shalt  }
0x47: {  	_ =	shalt  }
0x48: {  	_ =	shalt  }
0x49: {  	_ =	shalt  }
0x4a: {  	_ =	shalt  }
0x4b: {  	_ =	shalt  }
0x4c: {  	_ =	shalt  }
0x4d: {  	_ =	shalt  }
0x4e: {  	_ =	shalt  }
0x4f: {  	_ =	shalt  }
0x50: {  	_ =	shalt  }
0x51: {  	_ =	shalt  }
0x52: {  	_ =	shalt  }
0x53: {  	_ =	shalt  }
0x54: {  	_ =	shalt  }
0x55: {  	_ =	shalt  }
0x56: {  	_ =	shalt  }
0x57: {  	_ =	shalt  }
0x58: {  	_ =	shalt  }
0x59: {  	_ =	shalt  }
0x5a: {  	_ =	shalt  }
0x5b: {  	_ =	shalt  }
0x5c: {  	_ =	shalt  }
0x5d: {  	_ =	shalt  }
0x5e: {  	_ =	shalt  }
0x5f: {  	_ =	shalt  }
0x60: {  	_ =	shalt  }
0x61: {  	_ =	shalt  }
0x62: {  	_ =	shalt  }
0x63: {  	_ =	shalt  }
0x64: {  	_ =	shalt  }
0x65: {  	_ =	shalt  }
0x66: {  	_ =	shalt  }
0x67: {  	_ =	shalt  }
0x68: {  	_ =	shalt  }
0x69: {  	_ =	shalt  }
0x6a: {  	_ =	shalt  }
0x6b: {  	_ =	shalt  }
0x6c: {  	_ =	shalt  }
0x6d: {  	_ =	shalt  }
0x6e: {  	_ =	shalt  }
0x6f: {  	_ =	shalt  }
0x70: {  	_ =	shalt  }
0x71: {  	_ =	shalt  }
0x72: {  	_ =	shalt  }
0x73: {  	_ =	shalt  }
0x74: {  	_ =	shalt  }
0x75: {  	_ =	shalt  }
0x76: {  	_ =	shalt  }
0x77: {  	_ =	shalt  }
0x78: {  	_ =	shalt  }
0x79: {  	_ =	shalt  }
0x7a: {  	_ =	shalt  }
0x7b: {  	_ =	shalt  }
0x7c: {  	_ =	shalt  }
0x7d: {  	_ =	shalt  }
0x7e: {  	_ =	shalt  }
0x7f: {  	_ =	shalt  }
0x80: {  	_ =	shalt  }
0x81: {  	_ =	shalt  }
0x82: {  	_ =	shalt  }
0x83: {  	_ =	shalt  }
0x84: {  	_ =	shalt  }
0x85: {  	_ =	shalt  }
0x86: {  	_ =	shalt  }
0x87: {  	_ =	shalt  }
.Lfunc_end0:
.L_simem_size_0:
called_computation.1_lowered:
.L_overlay_start_0:
0x88: {  	s2 =	sld [smem:$0x3FD9]  }
0x89: {  	s3 =	sld [smem:$0x3FFE];
	_ =	sdelay $0x1  }
0x8a: {  	s1 =	srdreg.scid  }
0x8b: {  	s0 =	sand.u32 $0x1, s1  }
0x8c: {  	s17 =	sshll.u32 s0, $0xA;
	s2 =	sadd.s32 s3, s2  }
0x8d: {  	s2 =	sadd.s32 s2, s17  }
0x8e: {  	[smem:$0x3FC2] =	sst s2  }
0x8f: {  	_ = 	snop  }
0x90: {  	s2 =	sld [smem:$0x3FD0];
	(tm) =	ssettm $0x1  }
0x91: {  	s18 =	sld [smem:$0x3FFB];
	_ =	sdelay $0x3  }
0x92: {  	_ =	strace s18  }
0x93: {  	s3 =	sld [smem:$0x3FFC];
	_ =	sdelay $0x3  }
0x94: {  	_ =	strace s3  }
0x95: {  	s3 =	sld [smem:$0x3FFD];
	_ =	sdelay $0x3  }
0x96: {  	_ =	strace s3  }
0x97: {  	_ =	strace $0x8FFFFFFF  }
0x98: {  	s19 =	sld [smem:$0x3FDB];
	_ =	sdelay $0x1  }
0x99: {  	s4 =	simm.s32 $_scs_section_size  }
0x9a: {  	s5 =	simm.s32 $_size__tile_overlayer_lowered;
	s6 =	simm.s32 $_tile_overlayer_lowered  }
0x9b: {  	s22 =	simm.s32 $0x1BFF;
	s21 =	sshll.u32 s6, $0x1;
	s3 =	sadd.s32 s4, s19  }
0x9c: {  	s7 =	simm.s32 $0x0;
	s20 =	sshll.u32 s5, $0x1;
	s5 =	sadd.s32 s21, s3  }
0x9d: {  	[timem:s7], [sflag:s22] =	dma.local [hbm:s5], s20  }
0x9e: {  	_ =	swait.ge [sflag:s22], s20  }
0x9f: {  	s4 =	ssub.s32 $0x0, s20;
	[sflag:s22] =	ssyncset.done $0x0  }
0xa0: {  	[sflag:s22] =	ssyncadd.s32 s4;
	_ =	sdelay $0x1  }
0xa1: {  	s23 =	simm.s32 $0x1B8B  }
0xa2: {  	_ =	swait.ge [sflag:s23], $0x1  }
0xa3: {  	[sflag:s23] =	ssyncset.done $0x0  }
0xa4: {  	s25 =	simm.s32 $0x1B8E;
	s24 =	sld [smem:$0x3FFE];
	[sflag:s23] =	ssyncadd.s32 $0xFFFFFFFF  }
0xa5: {  	s26 =	simm.s32 $execute0_lowered;
	[smem:$0x3FD2] =	sst s25  }
0xa6: {  	s5 =	sshll.u32 s26, $0x1;
	_ =	strace $0x80000049;
	[dreg:$0x1] =	wrdreg $0xFFFFFFFF  }
0xa7: {  	s28 =	simm.s32 $_size_execute0_lowered;
	s3 =	sadd.s32 s3, s5;
	[dreg:$0x0] =	wrdreg $0x0  }
0xa8: {  	s5 =	sshll.u32 s28, $0x1;
	[dreg:$0x2] =	wrdreg s3  }
0xa9: {  	[dreg:$0x3] =	wrdreg s5  }
0xaa: {  	[dreg:$0x4] =	wrdreg $0xC0  }
0xab: {  	_ =	task [dreg:s7], $0x5FFFF  }
0xac: {  	[dreg:$0x1] =	wrdreg $0xFFFFFFFF  }
0xad: {  	[dreg:$0x0] =	wrdreg $0x60  }
0xae: {  	[dreg:$0x2] =	wrdreg s24  }
0xaf: {  	[dreg:$0x3] =	wrdreg s2  }
0xb0: {  	[dreg:$0x4] =	wrdreg $0x120000  }
0xb1: {  	[dreg:$0x5] =	wrdreg $0x9  }
0xb2: {  	_ =	task.clear_ibuf [dreg:s7], $0x6FFFF;
	_ =	strace $0x90000049  }
0xb3: {  	s29 =	simm.s32 $0x9;
	_ =	strace $0x8000004B  }
0xb4: {  	_ =	swait.ge [sflag:s29], $0x1  }
0xb5: {  	[sflag:s29] =	ssyncadd.s32 $0xFFFFFFFF  }
0xb6: {  	_ =	strace $0x9000004B  }
0xb7: {  	_ =	sfence  }
0xb8: {  	s30 =	sld [smem:$0x0];
	_ =	sdelay $0x2  }
0xb9: {  	s31 =	sshll.u32 s1, $0xD;
	s1 =	sshrl.u32 s1, $0x2  }
0xba: {  	s3 =	sand.u32 $0x4000, s31;
	s1 =	sadd.s32 s1, s30  }
0xbb: {  	s0 =	sor.u32 s3, s0;
	s1 =	sshll.u32 s1, $0x11  }
0xbc: {  	s0 =	sor.u32 s1, s0  }
0xbd: {  	s0 =	sadd.s32 $0x8F2B, s0  }
0xbe: {  	[sflag:s0] =	ssyncadd.remote.s32 $0x1  }
0xbf: {  	_ =	sfence.sel $0xFFFF  }
0xc0: {  	[dreg:$0x0] =	wrdreg $0xFFFFFFFF;
	(pc) =	sbr.abs _section_cstart, $3  }
0xc1: {  	[dreg:$0x1] =	wrdreg $0xFFFFFFFF  }
0xc2: {  	_ =	task.clear_ibuf [dreg:s7], $0x2FFFF;
	_ =	strace $0x9FFFFFFF  }
0xc3: {  	(tm) =	ssettm $0x7FFFFFFF  }
tec
execute0_lowered:
.L_overlay_start_1:
0x0: {  	(tag) =	ssettag $0x1  }
0x1: {  	s0 =	stileid.u32;
	s5 =	rddreg [dreg:$0x0]  }
0x2: {  	s13 =	rddreg [dreg:$0x1];
	s3 =	simm.s32 $0x0;
	s1 =	smul.u32 $0x9C4, s0  }
0x3: {  	s25 =	srdreg.scid;
	s20 =	simm.s32 $0x80;
	s21 =	simm.s32 $0x2  }
0x4: {  	[smem:$0x7FF] =	sst s3;
	s12 =	smul.u32 $0x2780, s0;
	s2 =	sadd.s32 $0x9C4, s1  }
0x5: {  	s15 =	sadd.s32 $0x2C00, s5;
	s6 =	sshrl.u32 s1, $0x4;
	s4 =	sshrl.u32 s2, $0x4  }
0x6: {  	s29 =	sshll.u32 s0, $0x6;
	s26 =	sshrl.u32 s12, $0x3;
	s7 =	ssub.s32 s4, s6  }
0x7: {  	s2 =	rddreg [dreg:$0x2];
	_ =	strace $0x8000004A;
	s8 =	smul.u32 $0xD, s7  }
0x8: {  	p0 =	sne.s32 s4, s6;
	s4 =	simm.s32 $0x1;
	s10 =	smul.u32 $0x4AE15, s7  }
0x9: {  	s4 =	simm.s32 @!p0 $0x0;
	s9 =	sshll.u32 s8, $0x10;
	s8 =	sshra.s32 s8, $0x1F  }
0xa: {  	s10 =	sadd.s32 $0x51E, s10;
	s9 =	sshra.s32 s9, $0x10;
	s4 =	sor.u32 s4, s8  }
0xb: {  	s22 =	sand.u32 $0xFFFF, s10;
	s10 =	sand.u32 $0x1, s25;
	s9 =	smul.u32 $0x147B, s9  }
0xc: {  	p6 =	sne.s32 s4, $0x1;
	p1 =	sgt.u32 s22, $0xA3C;
	s4 =	sadd.s32 $0x1B800, s5  }
0xd: {  	s11 =	ssub.s32 $0x2, s10;
	p0 =	por !p1, !p6;
	s23 =	sshrl.u32 s9, $0x1F  }
0xe: {  	s24 =	sshra.s32 s9, $0x11;
	p0 =	por !p0, !p0;
	s9 =	simm.s32 $0x1  }
0xf: {  	s19 =	smul.u32 $0x27800, s10;
	s8 =	sadd.s32 s23, s24;
	s9 =	simm.s32 @!p0 $0x0  }
0x10: {  	s22 =	simm.s32 $0x0;
	s28 =	sshrl.u32 s11, $0x1;
	s8 =	ssub.s32 s8, s9  }
0x11: {  	s16 =	ssub.s32 s11, s28;
	s31 =	sadd.s32 s12, s19;
	s14 =	smul.u32 s10, s8  }
0x12: {  	s19 =	simm.s32 $0x3000;
	p0 =	seq.s32 s10, $0x0;
	s9 =	sadd.s32 s26, s5  }
0x13: {  	s5 =	simm.s32 $0x1;
	s14 =	sadd.s32 s6, s14;
	s6 =	ssub.s32 s7, s8  }
0x14: {  	s7 =	sadd.s32 s12, s2;
	p1 =	slt.s32 s14, $0x964;
	s17 =	smov.u32 s14  }
0x15: {  	s6 =	smov.u32 @p0 s8;
	s8 =	sadd.s32 $0x16800, s9;
	s9 =	sor.u32 $0x1C03, s29  }
0x16: {  	s17 =	simm.s32 @!p1 $0x964;
	p0 =	slt.s32 s6, $0xC;
	s12 =	smov.u32 s6  }
0x17: {  	s30 =	sshll.u32 s17, $0x7;
	s14 =	ssub.s32 s14, s17;
	s12 =	simm.s32 @!p0 $0xC  }
.Ltmp0:
0x18: {  	p0 =	slt.s32 s6, $0x1;
	s18 =	sshrl.u32 s30, $0x3;
	(pc) =	sbr.rel .LBB2_1-.Ltmp0, $4  }
0x19: {  	s11 =	sadd.s32 $0x4E200, s30;
	s14 =	sshll.u32 s14, $0x9;
	s10 =	sadd.s32 s15, s18  }
0x1a: {  	s11 =	sshrl.u32 s11, $0x3;
	s14 =	sshra.s32 s14, $0x2;
	s18 =	simm.s32 $0x3  }
0x1b: {  	s11 =	sadd.s32 s15, s11;
	s15 =	sshrl.u32 s31, $0x3;
	s17 =	sadd.s32 $0x3000, s14  }
0x1c: {  	s13 =	sadd.s32 s13, s15;
	s15 =	smax.u32 s16, $0x1;
	s16 =	sadd.s32 $0x600, s14  }
.LBB2_7:
0x1d: {  	[sflag:s21] =	ssyncadd.s32 $0xFFFFF800  }
.LBB2_8:
0x1e: {  	s22 =	sadd.s32 $0x1, s22  }
0x1f: {  	p1 =	sne.s32 s22, s15  }
.Ltmp1:
0x20: {  	[bflag:$0x0] =	sbarrier.arrive $0xFFFF;
	(pc) =	sbr.rel @!p1 .LBB2_9-.Ltmp1, $4  }
0x21: {  	[hbm:s13], [sflag:s9] =	dma.local [spmem:s23], $0x4F0  }
0x22: {  	_ =	swait.ge [sflag:s18], $0x4F0  }
0x23: {  	[sflag:s18] =	ssyncset.done $0x0  }
0x24: {  	[sflag:s18] =	ssyncadd.s32 $0xFFFFFB10  }
.LBB2_1:
0x25: {  	s23 =	sshrl.u32 s7, $0x3  }
0x26: {  	[spmem:s23], [sflag:s9] =	dma.local [hbm:s8], $0x4F0  }
0x27: {  	_ =	swait.ge [sflag:s18], $0x4F0  }
0x28: {  	[sflag:s18] =	ssyncset.done $0x0  }
0x29: {  	[sflag:s18] =	ssyncadd.s32 $0xFFFFFB10  }
0x2a: {  	[tilespmem:s3], [sflag:$0x3] =	stream.linear.gather [hbm4b:s10+s3], $0x3000, $0x38;
	[tilespmem:$0x14780] =	vst v63  }
0x2b: {  	_ =	swait.ge [sflag:s18], $0x3000  }
0x2c: {  	[sflag:s18] =	ssyncset.done $0x0  }
0x2d: {  	[sflag:s18] =	ssyncadd.s32 $0xFFFFD000  }
0x2e: {  	[tilespmem:s19], [sflag:$0x3] =	stream.linear.gather [hbm4b:s11+s3], $0x3000, $0x38;
	[tilespmem:$0x14780] =	vst v63  }
.Ltmp2:
0x2f: {  	_ =	swait.ge [sflag:s18], $0x3000;
	(pc) =	sbr.rel @p0 .LBB2_8-.Ltmp2, $4  }
0x30: {  	[sflag:s18] =	ssyncset.done $0x0  }
0x31: {  	[sflag:s18] =	ssyncadd.s32 $0xFFFFD000  }
0x32: {  	s24 =	simm.s32 $0x6000;
	[bflag:$0x0] =	sbarrier.arrive $0xFFFF  }
0x33: {  	s25 =	smov.u32 s14;
	s26 =	simm.s32 $0x6000;
	s28 =	smov.u32 s12  }
.LBB2_2:
0x34: {  	p1 =	sne.s32 s28, $0x1  }
.Ltmp3:
0x35: {  	_ = 	snop;
	(pc) =	sbr.rel @p1 .LBB2_2-.Ltmp3, $3  }
0x36: {  	_ =	sdelay $0x1  }
0x37: {  	[tilespmem:s26], [sflag:$0x1] =	stream.indirect.gather [hbm4b:s4+s20], $0x10, s25, s20, $0xb8;
	[tilespmem:$0x14780] =	vst v63  }
0x38: {  	s26 =	sadd.s32 $0x800, s26;
	s25 =	sadd.s32 $0x80, s25;
	s28 =	sadd.s32 $0xFFFFFFFF, s28  }
0x39: {  	s30 =	simm.s32 $0x0;
	s25 =	simm.s32 $0xC000  }
0x3a: {  	s26 =	simm.s32 $0xC;
	s28 =	smov.u32 s17;
	s29 =	smov.u32 s16  }
.LBB2_4:
0x3b: {  	s31 =	smulhi.u32 $0xAAAAAAAB, s30;
	_ =	sdelay $0x1  }
0x3c: {  	s31 =	sshrl.u32 s31, $0x4  }
0x3d: {  	s31 =	smul.u32 $0xFFFD0000, s31  }
0x3e: {  	_ =	swait.ge [sflag:s5], $0x800  }
0x3f: {  	[sflag:s5] =	ssyncset.done $0x0;
	s31 =	sshra.s32 s31, $0x2  }
0x40: {  	p1 =	slt.u32 s30, $0xC;
	[sflag:s5] =	ssyncadd.s32 $0xFFFFF800;
	s31 =	sadd.s32 s31, s24  }
0x41: {  	[spmem:s2] =	stream.indirect.scatter.add.f32 [tilespmem:s31], [sflag:$0x2], $0x10, s28, s20, $0xb8;
	[tilespmem:$0x14780] =	vst v63  }
0x42: {  	s1 =	smulhi.u32 $0xAAAAAAAB, s26;
	s30 =	sadd.s32 $0xC, s30;
	s31 =	simm.s32 @!p1 $0x2  }
0x43: {  	p2 =	sge.s32 s30, s6;
	_ =	swait.ge @!p1 [sflag:s31], $0x800  }
0x44: {  	s30 =	sadd.s32 $0xFFFFFFF5, s30;
	s1 =	sshrl.u32 s1, $0x4;
	[sflag:s31] =	ssyncset.done @!p1 $0x0  }
0x45: {  	s1 =	smul.u32 $0xFFFD0000, s1;
	[sflag:s31] =	ssyncadd.s32 @!p1 $0xFFFFF800;
	p1 =	sne.s32 s30, s6  }
.Ltmp4:
0x46: {  	_ = 	snop;
	(pc) =	sbr.rel @p1 .LBB2_4-.Ltmp4, $4  }
0x47: {  	s26 =	sadd.s32 $0x1, s26;
	s1 =	sshra.s32 s1, $0x2  }
0x48: {  	s1 =	sadd.s32 s1, s25;
	s25 =	sadd.s32 $0x800, s25;
	s31 =	simm.s32 @!p2 $0x80  }
0x49: {  	[tilespmem:s1], [sflag:$0x1] =	stream.indirect.gather @!p2 [hbm4b:s4+s31], $0x10, s29, s31, $0xb8;
	[tilespmem:$0x14780] =	vst v63  }
0x4a: {  	s24 =	sadd.s32 $0x800, s24;
	s28 =	sadd.s32 $0x80, s28;
	s29 =	sadd.s32 $0x80, s29  }
0x4b: {  	p1 =	sne.s32 s12, $0x1  }
.Ltmp5:
0x4c: {  	_ = 	snop;
	(pc) =	sbr.rel @!p1 .LBB2_7-.Ltmp5, $3  }
0x4d: {  	_ =	sdelay $0x1  }
0x4e: {  	_ =	swait.ge [sflag:s21], $0x800  }
0x4f: {  	s24 =	sadd.s32 $0xFFFFFFFF, s12;
	[sflag:s21] =	ssyncset.done $0x0  }
.LBB2_6:
0x50: {  	p1 =	sne.s32 s24, $0x1;
	s24 =	sadd.s32 $0xFFFFFFFF, s24;
	[sflag:s21] =	ssyncadd.s32 $0xFFFFF800  }
.Ltmp6:
0x51: {  	(pc) =	sbr.rel @p1 .LBB2_6-.Ltmp6, $3  }
0x52: {  	_ =	sdelay $0x1  }
0x53: {  	_ =	swait.ge [sflag:s21], $0x800  }
0x54: {  	[sflag:s21] =	ssyncset.done $0x0  }
.Ltmp7:
0x55: {  	_ = 	snop;
	(pc) =	sbr.rel .LBB2_7-.Ltmp7, $1  }
0x56: {  	_ =	sdelay $0x3  }
.LBB2_9:
0x57: {  	_ =	sfence.sel $0x180000  }
0x58: {  	[bflag:$0x0] =	sbarrier.arrive $0xFFFF  }
0x59: {  	_ =	strace $0x9000004A  }
0x5a: {  	[bflag:$0x2] =	sbarrier.arrive $0xFFFF  }
0x5b: {  	p0 =	sne.s32 s0, $0x0;
	s0 =	rddreg [dreg:$0x3]  }
0x5c: {  	s0 =	sadd.s32 @!p0 $0x100000, s0  }
0x5d: {  	[sflag:s0] =	ssyncadd.tile.s32 @!p0 $0x1;
	_ =	shalt  }
.Lfunc_end2:
_tile_overlayer_lowered:
.L_overlay_start_2:
0x5e: {  	(tag) =	ssettag $0x2  }
0x5f: {  	s0 =	rddreg [dreg:$0x0];
	s2 =	stileid.u32  }
0x60: {  	s1 =	rddreg [dreg:$0x1];
	p0 =	sne.s32 s2, $0x0  }
0x61: {  	s3 =	rddreg [dreg:$0x2];
	[bflag:$0x3] =	sbarrier.arrive $0xFFFF;
	s2 =	simm.s32 @!p0 $0x1C03  }
0x62: {  	[timem:s3], [sflag:s2] =	dma.local @!p0 [hbm:s0], s1  }
0x63: {  	s0 =	simm.s32 @!p0 $0x3  }
0x64: {  	_ =	swait.ge @!p0 [sflag:s0], s1  }
0x65: {  	s1 =	ssub.s32 @!p0 $0x0, s1;
	[sflag:s0] =	ssyncset.done @!p0 $0x0  }
0x66: {  	[sflag:s0] =	ssyncadd.s32 @!p0 s1  }
0x67: {  	[bflag:$0x3] =	sbarrier.arrive $0xFFFF  }
0x68: {  	_ =	shalt  }

// kernel: kernel.15.cloned.1.call-start
scs
__scs_entry_jumppad:
0x0: {  	(pc) =	sbr.rel $0x88, $3  }
0x1: {  	(tag) =	ssettag $0x0;
	lr =	simm.s32 $0x1  }
0x2: {  	[smem:$0x3F9B] =	sst lr;
	_ =	strace $0xD0000000  }
0x3: {  	_ = 	snop  }
0x4: {  	_ = 	snop  }
0x5: {  	_ = 	snop  }
0x6: {  	_ = 	snop  }
0x7: {  	_ = 	snop  }
__scs_overlays_trampoline_lowered:
0x8: {  	[smem:$0x3FAA] =	sst s0  }
0x9: {  	[smem:$0x3FAB] =	sst s1  }
0xa: {  	[smem:$0x3FAC] =	sst s2  }
0xb: {  	[smem:$0x3FAD] =	sst s3  }
0xc: {  	[smem:$0x3FAE] =	sst s4  }
0xd: {  	[smem:$0x3FAF] =	sst s5  }
0xe: {  	[smem:$0x3FB0] =	sst s6  }
0xf: {  	[smem:$0x3FB1] =	sst s7  }
0x10: {  	[smem:$0x3FB2] =	sst s8  }
0x11: {  	[smem:$0x3FB3] =	sst s9;
	s0 =	simm.s32 @!p0 $0x0  }
0x12: {  	s1 =	sld [smem:$0x3F99];
	s0 =	simm.s32 @p0 $0x1  }
0x13: {  	[smem:$0x3FB4] =	sst s0;
	s0 =	simm.s32 @!p1 $0x0  }
0x14: {  	s2 =	sld [smem:$0x3F98];
	s0 =	simm.s32 @p1 $0x1  }
0x15: {  	[smem:$0x3FB5] =	sst s0;
	s0 =	simm.s32 @!p2 $0x0  }
0x16: {  	s3 =	sld [smem:$0x3FDB];
	s0 =	simm.s32 @p2 $0x1  }
0x17: {  	s4 =	simm.s32 $0x1BF5;
	[smem:$0x3FB7] =	sst s0  }
0x18: {  	s0 =	sld [smem:$0x3F9A];
	_ =	swait.ge [sflag:s4], $0x0  }
0x19: {  	s7 =	sld [smem:$0x3F9B]  }
0x1a: {  	s8 =	sadd.s32 $0xFFFFE003, lr  }
0x1b: {  	s9 =	sadd.s32 $0xFFFFFEF7, lr;
	s5 =	simm.s32 $0xFFFFFFFF;
	p2 =	slt.u32 s8, $0xFFFFF086  }
0x1c: {  	p1 =	slt.u32 s9, $0xF7A;
	s5 =	simm.s32 @!p2 $0x0  }
0x1d: {  	s5 =	simm.s32 @p1 $0x1;
	p0 =	seq.s32 s7, s2  }
0x1e: {  	s7 =	smul.u32 @!p0 $0xF7A, s2;
	p2 =	seq.s32 @!p0 s5, $0x0  }
0x1f: {  	s9 =	smul.u32 $0xF7A, s1;
	s8 =	simm.s32 @!p0 $0x1BF5;
	p2 =	por !p2, p0  }
0x20: {  	[sflag:s8] =	ssyncset.s32 @!p0 $0xFFFFF086;
	s6 =	sadd.s32 @!p0 s3, s7;
	s7 =	simm.s32 @!p0 $0x108  }
0x21: {  	s3 =	sadd.s32 s3, s9;
	s6 =	sadd.s32 @!p0 $0x88, s6;
	s7 =	simm.s32 @p2 $0x1082  }
0x22: {  	[simem:s7], [sflag:s8] =	dma.local @!p0 [hbm:s6], $0xF7A  }
0x23: {  	s9 =	sor.u32 $0xD0000000, s2;
	s6 =	simm.s32 $0x108;
	_ =	swait.ge @!p0 [sflag:s8], $0x0  }
0x24: {  	s3 =	sadd.s32 $0x88, s3;
	s6 =	simm.s32 @!p1 $0x1082;
	[sflag:s4] =	ssyncset.s32 $0xFFFFF086  }
0x25: {  	[simem:s6], [sflag:s4] =	dma.local [hbm:s3], $0xF7A  }
0x26: {  	[smem:$0x3F9B] =	sst s1;
	(tag) =	ssettag s2;
	_ =	strace s9  }
0x27: {  	s1 =	sld [smem:$0x3FAB]  }
0x28: {  	s2 =	sld [smem:$0x3FAC]  }
0x29: {  	s4 =	sld [smem:$0x3FAE]  }
0x2a: {  	p0 =	seq.s32 s5, $0x0;
	s5 =	sld [smem:$0x3FAF]  }
0x2b: {  	s6 =	sld [smem:$0x3FB0]  }
0x2c: {  	s7 =	sld [smem:$0x3FB1]  }
0x2d: {  	s3 =	simm.s32 $0x108;
	s8 =	sld [smem:$0x3FB2]  }
0x2e: {  	s3 =	simm.s32 @!p0 $0x1082;
	s9 =	sld [smem:$0x3FB3]  }
0x2f: {  	lr =	sadd.s32 s0, s3;
	s0 =	sld [smem:$0x3FAA]  }
0x30: {  	s3 =	sld [smem:$0x3FAD]  }
0x31: {  	[smem:$0x3FB6] =	sst s10  }
0x32: {  	s10 =	sld [smem:$0x3FB4];
	_ =	sdelay $0x3  }
0x33: {  	p0 =	seq.s32 s10, $0x1;
	s10 =	sld [smem:$0x3FB6];
	_ =	sdelay $0x3  }
0x34: {  	[smem:$0x3FB6] =	sst s10  }
0x35: {  	s10 =	sld [smem:$0x3FB5];
	_ =	sdelay $0x3  }
0x36: {  	p1 =	seq.s32 s10, $0x1;
	s10 =	sld [smem:$0x3FB6];
	_ =	sdelay $0x3  }
0x37: {  	[smem:$0x3FB6] =	sst s10  }
0x38: {  	s10 =	sld [smem:$0x3FB7]  }
0x39: {  	_ = 	snop;
	(pc) =	sbr.ind lr, $3  }
0x3a: {  	_ = 	snop  }
0x3b: {  	_ = 	snop  }
0x3c: {  	p2 =	seq.s32 s10, $0x1;
	s10 =	sld [smem:$0x3FB6]  }
0x3d: {  	_ =	shalt  }
0x3e: {  	_ =	shalt  }
0x3f: {  	_ =	shalt  }
0x40: {  	_ =	shalt  }
0x41: {  	_ =	shalt  }
0x42: {  	_ =	shalt  }
0x43: {  	_ =	shalt  }
0x44: {  	_ =	shalt  }
0x45: {  	_ =	shalt  }
0x46: {  	_ =	shalt  }
0x47: {  	_ =	shalt  }
0x48: {  	_ =	shalt  }
0x49: {  	_ =	shalt  }
0x4a: {  	_ =	shalt  }
0x4b: {  	_ =	shalt  }
0x4c: {  	_ =	shalt  }
0x4d: {  	_ =	shalt  }
0x4e: {  	_ =	shalt  }
0x4f: {  	_ =	shalt  }
0x50: {  	_ =	shalt  }
0x51: {  	_ =	shalt  }
0x52: {  	_ =	shalt  }
0x53: {  	_ =	shalt  }
0x54: {  	_ =	shalt  }
0x55: {  	_ =	shalt  }
0x56: {  	_ =	shalt  }
0x57: {  	_ =	shalt  }
0x58: {  	_ =	shalt  }
0x59: {  	_ =	shalt  }
0x5a: {  	_ =	shalt  }
0x5b: {  	_ =	shalt  }
0x5c: {  	_ =	shalt  }
0x5d: {  	_ =	shalt  }
0x5e: {  	_ =	shalt  }
0x5f: {  	_ =	shalt  }
0x60: {  	_ =	shalt  }
0x61: {  	_ =	shalt  }
0x62: {  	_ =	shalt  }
0x63: {  	_ =	shalt  }
0x64: {  	_ =	shalt  }
0x65: {  	_ =	shalt  }
0x66: {  	_ =	shalt  }
0x67: {  	_ =	shalt  }
0x68: {  	_ =	shalt  }
0x69: {  	_ =	shalt  }
0x6a: {  	_ =	shalt  }
0x6b: {  	_ =	shalt  }
0x6c: {  	_ =	shalt  }
0x6d: {  	_ =	shalt  }
0x6e: {  	_ =	shalt  }
0x6f: {  	_ =	shalt  }
0x70: {  	_ =	shalt  }
0x71: {  	_ =	shalt  }
0x72: {  	_ =	shalt  }
0x73: {  	_ =	shalt  }
0x74: {  	_ =	shalt  }
0x75: {  	_ =	shalt  }
0x76: {  	_ =	shalt  }
0x77: {  	_ =	shalt  }
0x78: {  	_ =	shalt  }
0x79: {  	_ =	shalt  }
0x7a: {  	_ =	shalt  }
0x7b: {  	_ =	shalt  }
0x7c: {  	_ =	shalt  }
0x7d: {  	_ =	shalt  }
0x7e: {  	_ =	shalt  }
0x7f: {  	_ =	shalt  }
0x80: {  	_ =	shalt  }
0x81: {  	_ =	shalt  }
0x82: {  	_ =	shalt  }
0x83: {  	_ =	shalt  }
0x84: {  	_ =	shalt  }
0x85: {  	_ =	shalt  }
0x86: {  	_ =	shalt  }
0x87: {  	_ =	shalt  }
.Lfunc_end0:
.L_simem_size_0:
called_computation.2_lowered:
.L_overlay_start_0:
0x88: {  	s2 =	sld [smem:$0x3FD9]  }
0x89: {  	s3 =	sld [smem:$0x3FFE];
	_ =	sdelay $0x1  }
0x8a: {  	s1 =	srdreg.scid  }
0x8b: {  	s0 =	sand.u32 $0x1, s1  }
0x8c: {  	s17 =	sshll.u32 s0, $0xA;
	s2 =	sadd.s32 s3, s2  }
0x8d: {  	s2 =	sadd.s32 s2, s17  }
0x8e: {  	[smem:$0x3FC2] =	sst s2  }
0x8f: {  	_ = 	snop  }
0x90: {  	s2 =	sld [smem:$0x3FD0];
	(tm) =	ssettm $0x1  }
0x91: {  	s18 =	sld [smem:$0x3FFB];
	_ =	sdelay $0x3  }
0x92: {  	_ =	strace s18  }
0x93: {  	s3 =	sld [smem:$0x3FFC];
	_ =	sdelay $0x3  }
0x94: {  	_ =	strace s3  }
0x95: {  	s3 =	sld [smem:$0x3FFD];
	_ =	sdelay $0x3  }
0x96: {  	_ =	strace s3  }
0x97: {  	_ =	strace $0x8FFFFFFF  }
0x98: {  	s19 =	sld [smem:$0x3FDB];
	_ =	sdelay $0x1  }
0x99: {  	s4 =	simm.s32 $_scs_section_size  }
0x9a: {  	s5 =	simm.s32 $_size__tile_overlayer_lowered;
	s6 =	simm.s32 $_tile_overlayer_lowered  }
0x9b: {  	s22 =	simm.s32 $0x1BFF;
	s21 =	sshll.u32 s6, $0x1;
	s3 =	sadd.s32 s4, s19  }
0x9c: {  	s7 =	simm.s32 $0x0;
	s20 =	sshll.u32 s5, $0x1;
	s5 =	sadd.s32 s21, s3  }
0x9d: {  	[timem:s7], [sflag:s22] =	dma.local [hbm:s5], s20  }
0x9e: {  	_ =	swait.ge [sflag:s22], s20  }
0x9f: {  	s4 =	ssub.s32 $0x0, s20;
	[sflag:s22] =	ssyncset.done $0x0  }
0xa0: {  	[sflag:s22] =	ssyncadd.s32 s4;
	_ =	sdelay $0x1  }
0xa1: {  	s23 =	simm.s32 $0x1B8B  }
0xa2: {  	_ =	swait.ge [sflag:s23], $0x1  }
0xa3: {  	[sflag:s23] =	ssyncset.done $0x0  }
0xa4: {  	s25 =	simm.s32 $0x1B8E;
	s24 =	sld [smem:$0x3FFE];
	[sflag:s23] =	ssyncadd.s32 $0xFFFFFFFF  }
0xa5: {  	s26 =	simm.s32 $execute0_lowered;
	[smem:$0x3FD2] =	sst s25  }
0xa6: {  	s5 =	sshll.u32 s26, $0x1;
	_ =	strace $0x8000004C;
	[dreg:$0x1] =	wrdreg $0xFFFFFFFF  }
0xa7: {  	s28 =	simm.s32 $_size_execute0_lowered;
	s3 =	sadd.s32 s3, s5;
	[dreg:$0x0] =	wrdreg $0x0  }
0xa8: {  	s5 =	sshll.u32 s28, $0x1;
	[dreg:$0x2] =	wrdreg s3  }
0xa9: {  	[dreg:$0x3] =	wrdreg s5  }
0xaa: {  	[dreg:$0x4] =	wrdreg $0xC0  }
0xab: {  	_ =	task [dreg:s7], $0x5FFFF  }
0xac: {  	[dreg:$0x1] =	wrdreg $0xFFFFFFFF  }
0xad: {  	[dreg:$0x0] =	wrdreg $0x60  }
0xae: {  	[dreg:$0x2] =	wrdreg s24  }
0xaf: {  	[dreg:$0x3] =	wrdreg s2  }
0xb0: {  	[dreg:$0x4] =	wrdreg $0x120000  }
0xb1: {  	[dreg:$0x5] =	wrdreg $0x9  }
0xb2: {  	_ =	task.clear_ibuf [dreg:s7], $0x6FFFF;
	_ =	strace $0x9000004C  }
0xb3: {  	s29 =	simm.s32 $0x9;
	_ =	strace $0x8000004E  }
0xb4: {  	_ =	swait.ge [sflag:s29], $0x1  }
0xb5: {  	[sflag:s29] =	ssyncadd.s32 $0xFFFFFFFF  }
0xb6: {  	_ =	strace $0x9000004E  }
0xb7: {  	_ =	sfence  }
0xb8: {  	s30 =	sld [smem:$0x0];
	_ =	sdelay $0x2  }
0xb9: {  	s31 =	sshll.u32 s1, $0xD;
	s1 =	sshrl.u32 s1, $0x2  }
0xba: {  	s3 =	sand.u32 $0x4000, s31;
	s1 =	sadd.s32 s1, s30  }
0xbb: {  	s0 =	sor.u32 s3, s0;
	s1 =	sshll.u32 s1, $0x11  }
0xbc: {  	s0 =	sor.u32 s1, s0  }
0xbd: {  	s0 =	sadd.s32 $0x8F2B, s0  }
0xbe: {  	[sflag:s0] =	ssyncadd.remote.s32 $0x1  }
0xbf: {  	_ =	sfence.sel $0xFFFF  }
0xc0: {  	[dreg:$0x0] =	wrdreg $0xFFFFFFFF;
	(pc) =	sbr.abs _section_cstart, $3  }
0xc1: {  	[dreg:$0x1] =	wrdreg $0xFFFFFFFF  }
0xc2: {  	_ =	task.clear_ibuf [dreg:s7], $0x2FFFF;
	_ =	strace $0x9FFFFFFF  }
0xc3: {  	(tm) =	ssettm $0x7FFFFFFF  }
tec
execute0_lowered:
.L_overlay_start_1:
0x0: {  	(tag) =	ssettag $0x1  }
0x1: {  	s0 =	stileid.u32;
	s5 =	rddreg [dreg:$0x0]  }
0x2: {  	s13 =	rddreg [dreg:$0x1];
	s3 =	simm.s32 $0x0;
	s1 =	smul.u32 $0x9C4, s0  }
0x3: {  	s25 =	srdreg.scid;
	s20 =	simm.s32 $0x80;
	s21 =	simm.s32 $0x2  }
0x4: {  	[smem:$0x7FF] =	sst s3;
	s12 =	smul.u32 $0x2780, s0;
	s2 =	sadd.s32 $0x9C4, s1  }
0x5: {  	s15 =	sadd.s32 $0x2C00, s5;
	s6 =	sshrl.u32 s1, $0x4;
	s4 =	sshrl.u32 s2, $0x4  }
0x6: {  	s29 =	sshll.u32 s0, $0x6;
	s26 =	sshrl.u32 s12, $0x3;
	s7 =	ssub.s32 s4, s6  }
0x7: {  	s2 =	rddreg [dreg:$0x2];
	_ =	strace $0x8000004D;
	s8 =	smul.u32 $0xD, s7  }
0x8: {  	p0 =	sne.s32 s4, s6;
	s4 =	simm.s32 $0x1;
	s10 =	smul.u32 $0x4AE15, s7  }
0x9: {  	s4 =	simm.s32 @!p0 $0x0;
	s9 =	sshll.u32 s8, $0x10;
	s8 =	sshra.s32 s8, $0x1F  }
0xa: {  	s10 =	sadd.s32 $0x51E, s10;
	s9 =	sshra.s32 s9, $0x10;
	s4 =	sor.u32 s4, s8  }
0xb: {  	s22 =	sand.u32 $0xFFFF, s10;
	s10 =	sand.u32 $0x1, s25;
	s9 =	smul.u32 $0x147B, s9  }
0xc: {  	p6 =	sne.s32 s4, $0x1;
	p1 =	sgt.u32 s22, $0xA3C;
	s4 =	sadd.s32 $0x1B800, s5  }
0xd: {  	s11 =	ssub.s32 $0x2, s10;
	p0 =	por !p1, !p6;
	s23 =	sshrl.u32 s9, $0x1F  }
0xe: {  	s24 =	sshra.s32 s9, $0x11;
	p0 =	por !p0, !p0;
	s9 =	simm.s32 $0x1  }
0xf: {  	s19 =	smul.u32 $0x27800, s10;
	s8 =	sadd.s32 s23, s24;
	s9 =	simm.s32 @!p0 $0x0  }
0x10: {  	s22 =	simm.s32 $0x0;
	s28 =	sshrl.u32 s11, $0x1;
	s8 =	ssub.s32 s8, s9  }
0x11: {  	s16 =	ssub.s32 s11, s28;
	s31 =	sadd.s32 s12, s19;
	s14 =	smul.u32 s10, s8  }
0x12: {  	s19 =	simm.s32 $0x3000;
	p0 =	seq.s32 s10, $0x0;
	s9 =	sadd.s32 s26, s5  }
0x13: {  	s5 =	simm.s32 $0x1;
	s14 =	sadd.s32 s6, s14;
	s6 =	ssub.s32 s7, s8  }
0x14: {  	s7 =	sadd.s32 s12, s2;
	p1 =	slt.s32 s14, $0x964;
	s17 =	smov.u32 s14  }
0x15: {  	s6 =	smov.u32 @p0 s8;
	s8 =	sadd.s32 $0x16800, s9;
	s9 =	sor.u32 $0x1C03, s29  }
0x16: {  	s17 =	simm.s32 @!p1 $0x964;
	p0 =	slt.s32 s6, $0xC;
	s12 =	smov.u32 s6  }
0x17: {  	s30 =	sshll.u32 s17, $0x7;
	s14 =	ssub.s32 s14, s17;
	s12 =	simm.s32 @!p0 $0xC  }
.Ltmp0:
0x18: {  	p0 =	slt.s32 s6, $0x1;
	s18 =	sshrl.u32 s30, $0x3;
	(pc) =	sbr.rel .LBB2_1-.Ltmp0, $4  }
0x19: {  	s11 =	sadd.s32 $0x4E200, s30;
	s14 =	sshll.u32 s14, $0x9;
	s10 =	sadd.s32 s15, s18  }
0x1a: {  	s11 =	sshrl.u32 s11, $0x3;
	s14 =	sshra.s32 s14, $0x2;
	s18 =	simm.s32 $0x3  }
0x1b: {  	s11 =	sadd.s32 s15, s11;
	s15 =	sshrl.u32 s31, $0x3;
	s17 =	sadd.s32 $0x3000, s14  }
0x1c: {  	s13 =	sadd.s32 s13, s15;
	s15 =	smax.u32 s16, $0x1;
	s16 =	sadd.s32 $0x600, s14  }
.LBB2_7:
0x1d: {  	[sflag:s21] =	ssyncadd.s32 $0xFFFFF800  }
.LBB2_8:
0x1e: {  	s22 =	sadd.s32 $0x1, s22  }
0x1f: {  	p1 =	sne.s32 s22, s15  }
.Ltmp1:
0x20: {  	[bflag:$0x0] =	sbarrier.arrive $0xFFFF;
	(pc) =	sbr.rel @!p1 .LBB2_9-.Ltmp1, $4  }
0x21: {  	[hbm:s13], [sflag:s9] =	dma.local [spmem:s23], $0x4F0  }
0x22: {  	_ =	swait.ge [sflag:s18], $0x4F0  }
0x23: {  	[sflag:s18] =	ssyncset.done $0x0  }
0x24: {  	[sflag:s18] =	ssyncadd.s32 $0xFFFFFB10  }
.LBB2_1:
0x25: {  	s23 =	sshrl.u32 s7, $0x3  }
0x26: {  	[spmem:s23], [sflag:s9] =	dma.local [hbm:s8], $0x4F0  }
0x27: {  	_ =	swait.ge [sflag:s18], $0x4F0  }
0x28: {  	[sflag:s18] =	ssyncset.done $0x0  }
0x29: {  	[sflag:s18] =	ssyncadd.s32 $0xFFFFFB10  }
0x2a: {  	[tilespmem:s3], [sflag:$0x3] =	stream.linear.gather [hbm4b:s10+s3], $0x3000, $0x38;
	[tilespmem:$0x14780] =	vst v63  }
0x2b: {  	_ =	swait.ge [sflag:s18], $0x3000  }
0x2c: {  	[sflag:s18] =	ssyncset.done $0x0  }
0x2d: {  	[sflag:s18] =	ssyncadd.s32 $0xFFFFD000  }
0x2e: {  	[tilespmem:s19], [sflag:$0x3] =	stream.linear.gather [hbm4b:s11+s3], $0x3000, $0x38;
	[tilespmem:$0x14780] =	vst v63  }
.Ltmp2:
0x2f: {  	_ =	swait.ge [sflag:s18], $0x3000;
	(pc) =	sbr.rel @p0 .LBB2_8-.Ltmp2, $4  }
0x30: {  	[sflag:s18] =	ssyncset.done $0x0  }
0x31: {  	[sflag:s18] =	ssyncadd.s32 $0xFFFFD000  }
0x32: {  	s24 =	simm.s32 $0x6000;
	[bflag:$0x0] =	sbarrier.arrive $0xFFFF  }
0x33: {  	s25 =	smov.u32 s14;
	s26 =	simm.s32 $0x6000;
	s28 =	smov.u32 s12  }
.LBB2_2:
0x34: {  	p1 =	sne.s32 s28, $0x1  }
.Ltmp3:
0x35: {  	_ = 	snop;
	(pc) =	sbr.rel @p1 .LBB2_2-.Ltmp3, $3  }
0x36: {  	_ =	sdelay $0x1  }
0x37: {  	[tilespmem:s26], [sflag:$0x1] =	stream.indirect.gather [hbm4b:s4+s20], $0x10, s25, s20, $0xb8;
	[tilespmem:$0x14780] =	vst v63  }
0x38: {  	s26 =	sadd.s32 $0x800, s26;
	s25 =	sadd.s32 $0x80, s25;
	s28 =	sadd.s32 $0xFFFFFFFF, s28  }
0x39: {  	s30 =	simm.s32 $0x0;
	s25 =	simm.s32 $0xC000  }
0x3a: {  	s26 =	simm.s32 $0xC;
	s28 =	smov.u32 s17;
	s29 =	smov.u32 s16  }
.LBB2_4:
0x3b: {  	s31 =	smulhi.u32 $0xAAAAAAAB, s30;
	_ =	sdelay $0x1  }
0x3c: {  	s31 =	sshrl.u32 s31, $0x4  }
0x3d: {  	s31 =	smul.u32 $0xFFFD0000, s31  }
0x3e: {  	_ =	swait.ge [sflag:s5], $0x800  }
0x3f: {  	[sflag:s5] =	ssyncset.done $0x0;
	s31 =	sshra.s32 s31, $0x2  }
0x40: {  	p1 =	slt.u32 s30, $0xC;
	[sflag:s5] =	ssyncadd.s32 $0xFFFFF800;
	s31 =	sadd.s32 s31, s24  }
0x41: {  	[spmem:s2] =	stream.indirect.scatter.add.f32 [tilespmem:s31], [sflag:$0x2], $0x10, s28, s20, $0xb8;
	[tilespmem:$0x14780] =	vst v63  }
0x42: {  	s1 =	smulhi.u32 $0xAAAAAAAB, s26;
	s30 =	sadd.s32 $0xC, s30;
	s31 =	simm.s32 @!p1 $0x2  }
0x43: {  	p2 =	sge.s32 s30, s6;
	_ =	swait.ge @!p1 [sflag:s31], $0x800  }
0x44: {  	s30 =	sadd.s32 $0xFFFFFFF5, s30;
	s1 =	sshrl.u32 s1, $0x4;
	[sflag:s31] =	ssyncset.done @!p1 $0x0  }
0x45: {  	s1 =	smul.u32 $0xFFFD0000, s1;
	[sflag:s31] =	ssyncadd.s32 @!p1 $0xFFFFF800;
	p1 =	sne.s32 s30, s6  }
.Ltmp4:
0x46: {  	_ = 	snop;
	(pc) =	sbr.rel @p1 .LBB2_4-.Ltmp4, $4  }
0x47: {  	s26 =	sadd.s32 $0x1, s26;
	s1 =	sshra.s32 s1, $0x2  }
0x48: {  	s1 =	sadd.s32 s1, s25;
	s25 =	sadd.s32 $0x800, s25;
	s31 =	simm.s32 @!p2 $0x80  }
0x49: {  	[tilespmem:s1], [sflag:$0x1] =	stream.indirect.gather @!p2 [hbm4b:s4+s31], $0x10, s29, s31, $0xb8;
	[tilespmem:$0x14780] =	vst v63  }
0x4a: {  	s24 =	sadd.s32 $0x800, s24;
	s28 =	sadd.s32 $0x80, s28;
	s29 =	sadd.s32 $0x80, s29  }
0x4b: {  	p1 =	sne.s32 s12, $0x1  }
.Ltmp5:
0x4c: {  	_ = 	snop;
	(pc) =	sbr.rel @!p1 .LBB2_7-.Ltmp5, $3  }
0x4d: {  	_ =	sdelay $0x1  }
0x4e: {  	_ =	swait.ge [sflag:s21], $0x800  }
0x4f: {  	s24 =	sadd.s32 $0xFFFFFFFF, s12;
	[sflag:s21] =	ssyncset.done $0x0  }
.LBB2_6:
0x50: {  	p1 =	sne.s32 s24, $0x1;
	s24 =	sadd.s32 $0xFFFFFFFF, s24;
	[sflag:s21] =	ssyncadd.s32 $0xFFFFF800  }
.Ltmp6:
0x51: {  	(pc) =	sbr.rel @p1 .LBB2_6-.Ltmp6, $3  }
0x52: {  	_ =	sdelay $0x1  }
0x53: {  	_ =	swait.ge [sflag:s21], $0x800  }
0x54: {  	[sflag:s21] =	ssyncset.done $0x0  }
.Ltmp7:
0x55: {  	_ = 	snop;
	(pc) =	sbr.rel .LBB2_7-.Ltmp7, $1  }
0x56: {  	_ =	sdelay $0x3  }
.LBB2_9:
0x57: {  	_ =	sfence.sel $0x180000  }
0x58: {  	[bflag:$0x0] =	sbarrier.arrive $0xFFFF  }
0x59: {  	_ =	strace $0x9000004D  }
0x5a: {  	[bflag:$0x2] =	sbarrier.arrive $0xFFFF  }
0x5b: {  	p0 =	sne.s32 s0, $0x0;
	s0 =	rddreg [dreg:$0x3]  }
0x5c: {  	s0 =	sadd.s32 @!p0 $0x100000, s0  }
0x5d: {  	[sflag:s0] =	ssyncadd.tile.s32 @!p0 $0x1;
	_ =	shalt  }
.Lfunc_end2:
_tile_overlayer_lowered:
.L_overlay_start_2:
0x5e: {  	(tag) =	ssettag $0x2  }
0x5f: {  	s0 =	rddreg [dreg:$0x0];
	s2 =	stileid.u32  }
0x60: {  	s1 =	rddreg [dreg:$0x1];
	p0 =	sne.s32 s2, $0x0  }
0x61: {  	s3 =	rddreg [dreg:$0x2];
	[bflag:$0x3] =	sbarrier.arrive $0xFFFF;
	s2 =	simm.s32 @!p0 $0x1C03  }
0x62: {  	[timem:s3], [sflag:s2] =	dma.local @!p0 [hbm:s0], s1  }
0x63: {  	s0 =	simm.s32 @!p0 $0x3  }
0x64: {  	_ =	swait.ge @!p0 [sflag:s0], s1  }
0x65: {  	s1 =	ssub.s32 @!p0 $0x0, s1;
	[sflag:s0] =	ssyncset.done @!p0 $0x0  }
0x66: {  	[sflag:s0] =	ssyncadd.s32 @!p0 s1  }
0x67: {  	[bflag:$0x3] =	sbarrier.arrive $0xFFFF  }
0x68: {  	_ =	shalt  }

// kernel: kernel.9.cloned.1.call-start
scs
__scs_entry_jumppad:
0x0: {  	(pc) =	sbr.rel $0x88, $3  }
0x1: {  	(tag) =	ssettag $0x0;
	lr =	simm.s32 $0x1  }
0x2: {  	[smem:$0x3F9B] =	sst lr;
	_ =	strace $0xD0000000  }
0x3: {  	_ = 	snop  }
0x4: {  	_ = 	snop  }
0x5: {  	_ = 	snop  }
0x6: {  	_ = 	snop  }
0x7: {  	_ = 	snop  }
__scs_overlays_trampoline_lowered:
0x8: {  	[smem:$0x3FAA] =	sst s0  }
0x9: {  	[smem:$0x3FAB] =	sst s1  }
0xa: {  	[smem:$0x3FAC] =	sst s2  }
0xb: {  	[smem:$0x3FAD] =	sst s3  }
0xc: {  	[smem:$0x3FAE] =	sst s4  }
0xd: {  	[smem:$0x3FAF] =	sst s5  }
0xe: {  	[smem:$0x3FB0] =	sst s6  }
0xf: {  	[smem:$0x3FB1] =	sst s7  }
0x10: {  	[smem:$0x3FB2] =	sst s8  }
0x11: {  	[smem:$0x3FB3] =	sst s9;
	s0 =	simm.s32 @!p0 $0x0  }
0x12: {  	s1 =	sld [smem:$0x3F99];
	s0 =	simm.s32 @p0 $0x1  }
0x13: {  	[smem:$0x3FB4] =	sst s0;
	s0 =	simm.s32 @!p1 $0x0  }
0x14: {  	s2 =	sld [smem:$0x3F98];
	s0 =	simm.s32 @p1 $0x1  }
0x15: {  	[smem:$0x3FB5] =	sst s0;
	s0 =	simm.s32 @!p2 $0x0  }
0x16: {  	s3 =	sld [smem:$0x3FDB];
	s0 =	simm.s32 @p2 $0x1  }
0x17: {  	s4 =	simm.s32 $0x1BF5;
	[smem:$0x3FB7] =	sst s0  }
0x18: {  	s0 =	sld [smem:$0x3F9A];
	_ =	swait.ge [sflag:s4], $0x0  }
0x19: {  	s7 =	sld [smem:$0x3F9B]  }
0x1a: {  	s8 =	sadd.s32 $0xFFFFE003, lr  }
0x1b: {  	s9 =	sadd.s32 $0xFFFFFEF7, lr;
	s5 =	simm.s32 $0xFFFFFFFF;
	p2 =	slt.u32 s8, $0xFFFFF086  }
0x1c: {  	p1 =	slt.u32 s9, $0xF7A;
	s5 =	simm.s32 @!p2 $0x0  }
0x1d: {  	s5 =	simm.s32 @p1 $0x1;
	p0 =	seq.s32 s7, s2  }
0x1e: {  	s7 =	smul.u32 @!p0 $0xF7A, s2;
	p2 =	seq.s32 @!p0 s5, $0x0  }
0x1f: {  	s9 =	smul.u32 $0xF7A, s1;
	s8 =	simm.s32 @!p0 $0x1BF5;
	p2 =	por !p2, p0  }
0x20: {  	[sflag:s8] =	ssyncset.s32 @!p0 $0xFFFFF086;
	s6 =	sadd.s32 @!p0 s3, s7;
	s7 =	simm.s32 @!p0 $0x108  }
0x21: {  	s3 =	sadd.s32 s3, s9;
	s6 =	sadd.s32 @!p0 $0x88, s6;
	s7 =	simm.s32 @p2 $0x1082  }
0x22: {  	[simem:s7], [sflag:s8] =	dma.local @!p0 [hbm:s6], $0xF7A  }
0x23: {  	s9 =	sor.u32 $0xD0000000, s2;
	s6 =	simm.s32 $0x108;
	_ =	swait.ge @!p0 [sflag:s8], $0x0  }
0x24: {  	s3 =	sadd.s32 $0x88, s3;
	s6 =	simm.s32 @!p1 $0x1082;
	[sflag:s4] =	ssyncset.s32 $0xFFFFF086  }
0x25: {  	[simem:s6], [sflag:s4] =	dma.local [hbm:s3], $0xF7A  }
0x26: {  	[smem:$0x3F9B] =	sst s1;
	(tag) =	ssettag s2;
	_ =	strace s9  }
0x27: {  	s1 =	sld [smem:$0x3FAB]  }
0x28: {  	s2 =	sld [smem:$0x3FAC]  }
0x29: {  	s4 =	sld [smem:$0x3FAE]  }
0x2a: {  	p0 =	seq.s32 s5, $0x0;
	s5 =	sld [smem:$0x3FAF]  }
0x2b: {  	s6 =	sld [smem:$0x3FB0]  }
0x2c: {  	s7 =	sld [smem:$0x3FB1]  }
0x2d: {  	s3 =	simm.s32 $0x108;
	s8 =	sld [smem:$0x3FB2]  }
0x2e: {  	s3 =	simm.s32 @!p0 $0x1082;
	s9 =	sld [smem:$0x3FB3]  }
0x2f: {  	lr =	sadd.s32 s0, s3;
	s0 =	sld [smem:$0x3FAA]  }
0x30: {  	s3 =	sld [smem:$0x3FAD]  }
0x31: {  	[smem:$0x3FB6] =	sst s10  }
0x32: {  	s10 =	sld [smem:$0x3FB4];
	_ =	sdelay $0x3  }
0x33: {  	p0 =	seq.s32 s10, $0x1;
	s10 =	sld [smem:$0x3FB6];
	_ =	sdelay $0x3  }
0x34: {  	[smem:$0x3FB6] =	sst s10  }
0x35: {  	s10 =	sld [smem:$0x3FB5];
	_ =	sdelay $0x3  }
0x36: {  	p1 =	seq.s32 s10, $0x1;
	s10 =	sld [smem:$0x3FB6];
	_ =	sdelay $0x3  }
0x37: {  	[smem:$0x3FB6] =	sst s10  }
0x38: {  	s10 =	sld [smem:$0x3FB7]  }
0x39: {  	_ = 	snop;
	(pc) =	sbr.ind lr, $3  }
0x3a: {  	_ = 	snop  }
0x3b: {  	_ = 	snop  }
0x3c: {  	p2 =	seq.s32 s10, $0x1;
	s10 =	sld [smem:$0x3FB6]  }
0x3d: {  	_ =	shalt  }
0x3e: {  	_ =	shalt  }
0x3f: {  	_ =	shalt  }
0x40: {  	_ =	shalt  }
0x41: {  	_ =	shalt  }
0x42: {  	_ =	shalt  }
0x43: {  	_ =	shalt  }
0x44: {  	_ =	shalt  }
0x45: {  	_ =	shalt  }
0x46: {  	_ =	shalt  }
0x47: {  	_ =	shalt  }
0x48: {  	_ =	shalt  }
0x49: {  	_ =	shalt  }
0x4a: {  	_ =	shalt  }
0x4b: {  	_ =	shalt  }
0x4c: {  	_ =	shalt  }
0x4d: {  	_ =	shalt  }
0x4e: {  	_ =	shalt  }
0x4f: {  	_ =	shalt  }
0x50: {  	_ =	shalt  }
0x51: {  	_ =	shalt  }
0x52: {  	_ =	shalt  }
0x53: {  	_ =	shalt  }
0x54: {  	_ =	shalt  }
0x55: {  	_ =	shalt  }
0x56: {  	_ =	shalt  }
0x57: {  	_ =	shalt  }
0x58: {  	_ =	shalt  }
0x59: {  	_ =	shalt  }
0x5a: {  	_ =	shalt  }
0x5b: {  	_ =	shalt  }
0x5c: {  	_ =	shalt  }
0x5d: {  	_ =	shalt  }
0x5e: {  	_ =	shalt  }
0x5f: {  	_ =	shalt  }
0x60: {  	_ =	shalt  }
0x61: {  	_ =	shalt  }
0x62: {  	_ =	shalt  }
0x63: {  	_ =	shalt  }
0x64: {  	_ =	shalt  }
0x65: {  	_ =	shalt  }
0x66: {  	_ =	shalt  }
0x67: {  	_ =	shalt  }
0x68: {  	_ =	shalt  }
0x69: {  	_ =	shalt  }
0x6a: {  	_ =	shalt  }
0x6b: {  	_ =	shalt  }
0x6c: {  	_ =	shalt  }
0x6d: {  	_ =	shalt  }
0x6e: {  	_ =	shalt  }
0x6f: {  	_ =	shalt  }
0x70: {  	_ =	shalt  }
0x71: {  	_ =	shalt  }
0x72: {  	_ =	shalt  }
0x73: {  	_ =	shalt  }
0x74: {  	_ =	shalt  }
0x75: {  	_ =	shalt  }
0x76: {  	_ =	shalt  }
0x77: {  	_ =	shalt  }
0x78: {  	_ =	shalt  }
0x79: {  	_ =	shalt  }
0x7a: {  	_ =	shalt  }
0x7b: {  	_ =	shalt  }
0x7c: {  	_ =	shalt  }
0x7d: {  	_ =	shalt  }
0x7e: {  	_ =	shalt  }
0x7f: {  	_ =	shalt  }
0x80: {  	_ =	shalt  }
0x81: {  	_ =	shalt  }
0x82: {  	_ =	shalt  }
0x83: {  	_ =	shalt  }
0x84: {  	_ =	shalt  }
0x85: {  	_ =	shalt  }
0x86: {  	_ =	shalt  }
0x87: {  	_ =	shalt  }
.Lfunc_end0:
.L_simem_size_0:
called_computation_lowered:
.L_overlay_start_0:
0x88: {  	s2 =	sld [smem:$0x3FD9]  }
0x89: {  	s3 =	sld [smem:$0x3FFE];
	_ =	sdelay $0x1  }
0x8a: {  	s1 =	srdreg.scid  }
0x8b: {  	s0 =	sand.u32 $0x1, s1  }
0x8c: {  	s17 =	sshll.u32 s0, $0xA;
	s2 =	sadd.s32 s3, s2  }
0x8d: {  	s2 =	sadd.s32 s2, s17  }
0x8e: {  	[smem:$0x3FC2] =	sst s2  }
0x8f: {  	_ = 	snop  }
0x90: {  	s2 =	sld [smem:$0x3FD0];
	(tm) =	ssettm $0x1  }
0x91: {  	s18 =	sld [smem:$0x3FFB];
	_ =	sdelay $0x3  }
0x92: {  	_ =	strace s18  }
0x93: {  	s3 =	sld [smem:$0x3FFC];
	_ =	sdelay $0x3  }
0x94: {  	_ =	strace s3  }
0x95: {  	s3 =	sld [smem:$0x3FFD];
	_ =	sdelay $0x3  }
0x96: {  	_ =	strace s3  }
0x97: {  	_ =	strace $0x8FFFFFFF  }
0x98: {  	s19 =	sld [smem:$0x3FDB];
	_ =	sdelay $0x1  }
0x99: {  	s4 =	simm.s32 $_scs_section_size  }
0x9a: {  	s5 =	simm.s32 $_size__tile_overlayer_lowered;
	s6 =	simm.s32 $_tile_overlayer_lowered  }
0x9b: {  	s22 =	simm.s32 $0x1BFF;
	s21 =	sshll.u32 s6, $0x1;
	s3 =	sadd.s32 s4, s19  }
0x9c: {  	s7 =	simm.s32 $0x0;
	s20 =	sshll.u32 s5, $0x1;
	s5 =	sadd.s32 s21, s3  }
0x9d: {  	[timem:s7], [sflag:s22] =	dma.local [hbm:s5], s20  }
0x9e: {  	_ =	swait.ge [sflag:s22], s20  }
0x9f: {  	s4 =	ssub.s32 $0x0, s20;
	[sflag:s22] =	ssyncset.done $0x0  }
0xa0: {  	[sflag:s22] =	ssyncadd.s32 s4;
	_ =	sdelay $0x1  }
0xa1: {  	s23 =	simm.s32 $0x1B8B  }
0xa2: {  	_ =	swait.ge [sflag:s23], $0x1  }
0xa3: {  	[sflag:s23] =	ssyncset.done $0x0  }
0xa4: {  	s25 =	simm.s32 $0x1B8E;
	s24 =	sld [smem:$0x3FFE];
	[sflag:s23] =	ssyncadd.s32 $0xFFFFFFFF  }
0xa5: {  	s26 =	simm.s32 $execute0_lowered;
	[smem:$0x3FD2] =	sst s25  }
0xa6: {  	s5 =	sshll.u32 s26, $0x1;
	_ =	strace $0x80000046;
	[dreg:$0x1] =	wrdreg $0xFFFFFFFF  }
0xa7: {  	s28 =	simm.s32 $_size_execute0_lowered;
	s3 =	sadd.s32 s3, s5;
	[dreg:$0x0] =	wrdreg $0x0  }
0xa8: {  	s5 =	sshll.u32 s28, $0x1;
	[dreg:$0x2] =	wrdreg s3  }
0xa9: {  	[dreg:$0x3] =	wrdreg s5  }
0xaa: {  	[dreg:$0x4] =	wrdreg $0xC0  }
0xab: {  	_ =	task [dreg:s7], $0x5FFFF  }
0xac: {  	[dreg:$0x1] =	wrdreg $0xFFFFFFFF  }
0xad: {  	[dreg:$0x0] =	wrdreg $0x60  }
0xae: {  	[dreg:$0x2] =	wrdreg s24  }
0xaf: {  	[dreg:$0x3] =	wrdreg s2  }
0xb0: {  	[dreg:$0x4] =	wrdreg $0x38000  }
0xb1: {  	[dreg:$0x5] =	wrdreg $0x9  }
0xb2: {  	_ =	task.clear_ibuf [dreg:s7], $0x6FFFF;
	_ =	strace $0x90000046  }
0xb3: {  	s29 =	simm.s32 $0x9;
	_ =	strace $0x80000048  }
0xb4: {  	_ =	swait.ge [sflag:s29], $0x1  }
0xb5: {  	[sflag:s29] =	ssyncadd.s32 $0xFFFFFFFF  }
0xb6: {  	_ =	strace $0x90000048  }
0xb7: {  	_ =	sfence  }
0xb8: {  	s30 =	sld [smem:$0x0];
	_ =	sdelay $0x2  }
0xb9: {  	s31 =	sshll.u32 s1, $0xD;
	s1 =	sshrl.u32 s1, $0x2  }
0xba: {  	s3 =	sand.u32 $0x4000, s31;
	s1 =	sadd.s32 s1, s30  }
0xbb: {  	s0 =	sor.u32 s3, s0;
	s1 =	sshll.u32 s1, $0x11  }
0xbc: {  	s0 =	sor.u32 s1, s0  }
0xbd: {  	s0 =	sadd.s32 $0x8F2B, s0  }
0xbe: {  	[sflag:s0] =	ssyncadd.remote.s32 $0x1  }
0xbf: {  	_ =	sfence.sel $0xFFFF  }
0xc0: {  	[dreg:$0x0] =	wrdreg $0xFFFFFFFF;
	(pc) =	sbr.abs _section_cstart, $3  }
0xc1: {  	[dreg:$0x1] =	wrdreg $0xFFFFFFFF  }
0xc2: {  	_ =	task.clear_ibuf [dreg:s7], $0x2FFFF;
	_ =	strace $0x9FFFFFFF  }
0xc3: {  	(tm) =	ssettm $0x7FFFFFFF  }
tec
execute0_lowered:
.L_overlay_start_1:
0x0: {  	(tag) =	ssettag $0x1  }
0x1: {  	s0 =	stileid.u32  }
0x2: {  	s1 =	smul.u32 $0x9C4, s0;
	_ =	sdelay $0x1  }
0x3: {  	s2 =	sadd.s32 $0x9C4, s1  }
0x4: {  	s1 =	sshrl.u32 s1, $0x4;
	s2 =	sshrl.u32 s2, $0x4  }
0x5: {  	s6 =	ssub.s32 s2, s1  }
0x6: {  	s3 =	smul.u32 $0x35, s6;
	_ =	sdelay $0x1  }
0x7: {  	s4 =	smulhi.u32 $0x51EB851F, s3;
	s5 =	sshra.s32 s3, $0x1F  }
0x8: {  	s7 =	smul.u32 $0x51EB851F, s5;
	_ =	sdelay $0x1  }
0x9: {  	s4 =	sadd.s32 s7, s4  }
0xa: {  	s7 =	sshrl.u32 s4, $0x1F;
	s4 =	sshra.s32 s4, $0x5  }
0xb: {  	p0 =	sne.s32 s2, s1;
	s2 =	simm.s32 $0x1;
	s4 =	sadd.s32 s7, s4  }
0xc: {  	s2 =	simm.s32 @!p0 $0x0;
	s7 =	smul.u32 $0xFFFFFF9C, s4  }
0xd: {  	s3 =	ssub.s32 $0x0, s3;
	s2 =	sor.u32 s2, s5  }
0xe: {  	p6 =	sne.s32 s2, $0x1;
	p1 =	sne.s32 s7, s3  }
0xf: {  	s22 =	srdreg.scid;
	s9 =	rddreg [dreg:$0x0];
	p0 =	por !p1, !p6  }
0x10: {  	s11 =	rddreg [dreg:$0x1];
	s2 =	simm.s32 $0x1;
	p0 =	por !p0, !p0  }
0x11: {  	s23 =	sand.u32 $0x1, s22;
	s13 =	smul.u32 $0x2780, s0;
	s2 =	simm.s32 @!p0 $0x0  }
0x12: {  	s29 =	sshll.u32 s0, $0x6;
	s28 =	smul.u32 $0x27800, s23;
	s8 =	ssub.s32 s4, s2  }
0x13: {  	s26 =	ssub.s32 $0x2, s23;
	s3 =	simm.s32 $0x0;
	s2 =	smul.u32 s23, s8  }
0x14: {  	s15 =	sshrl.u32 s13, $0x3;
	s16 =	sshrl.u32 s26, $0x1;
	[smem:$0x7FF] =	sst s3  }
0x15: {  	s5 =	sadd.s32 $0x16600, s9;
	s10 =	sadd.s32 s1, s2;
	s2 =	rddreg [dreg:$0x2]  }
0x16: {  	s6 =	ssub.s32 s6, s8;
	s1 =	rddreg [dreg:$0x3];
	_ =	strace $0x80000047  }
0x17: {  	p0 =	slt.s32 s10, $0x964;
	s12 =	smov.u32 s10;
	s17 =	sadd.s32 s13, s2  }
0x18: {  	s13 =	sadd.s32 s13, s28;
	s12 =	simm.s32 @!p0 $0x964;
	p0 =	seq.s32 s23, $0x0  }
0x19: {  	s30 =	sshrl.u32 s13, $0x3;
	s13 =	sshrl.u32 s17, $0x3;
	s17 =	simm.s32 $0x0  }
0x1a: {  	s24 =	sshll.u32 s12, $0x7;
	s6 =	smov.u32 @p0 s8;
	s10 =	ssub.s32 s10, s12  }
0x1b: {  	s8 =	sor.u32 $0x1C02, s29;
	s4 =	sadd.s32 $0x4E200, s24;
	s31 =	sshll.u32 s10, $0x9  }
.Ltmp0:
0x1c: {  	s10 =	sadd.s32 s11, s30;
	p0 =	slt.s32 s6, $0x1;
	(pc) =	sbr.rel .LBB2_1-.Ltmp0, $4  }
0x1d: {  	s25 =	sshrl.u32 s4, $0x3;
	s4 =	simm.s32 $0x1;
	s12 =	sshra.s32 s31, $0x2  }
0x1e: {  	s14 =	sadd.s32 s25, s9;
	s9 =	sadd.s32 s15, s9;
	s15 =	ssub.s32 s26, s16  }
0x1f: {  	s16 =	simm.s32 $0x80;
	s7 =	sadd.s32 $0x16800, s9;
	s9 =	sadd.s32 $0x2C00, s14  }
0x20: {  	s11 =	smax.u32 s15, $0x1;
	s14 =	simm.s32 $0x2;
	s15 =	simm.s32 $0x3000  }
.LBB2_6:
0x21: {  	[sflag:s4] =	ssyncadd.s32 $0xFFFFF800  }
.LBB2_7:
0x22: {  	s17 =	sadd.s32 $0x1, s17  }
0x23: {  	p1 =	sne.s32 s17, s11  }
.Ltmp1:
0x24: {  	[bflag:$0x0] =	sbarrier.arrive $0xFFFF;
	(pc) =	sbr.rel @!p1 .LBB2_8-.Ltmp1, $4  }
0x25: {  	[hbm:s10], [sflag:s8] =	dma.local [spmem:s13], $0x4F0  }
0x26: {  	_ =	swait.ge [sflag:s14], $0x4F0  }
0x27: {  	[sflag:s14] =	ssyncset.done $0x0  }
0x28: {  	[sflag:s14] =	ssyncadd.s32 $0xFFFFFB10  }
.LBB2_1:
0x29: {  	[spmem:s13], [sflag:s8] =	dma.local [hbm:s7], $0x4F0  }
0x2a: {  	_ =	swait.ge [sflag:s14], $0x4F0  }
0x2b: {  	[sflag:s14] =	ssyncset.done $0x0  }
0x2c: {  	[sflag:s14] =	ssyncadd.s32 $0xFFFFFB10  }
0x2d: {  	[tilespmem:s3], [sflag:$0x2] =	stream.linear.gather [hbm4b:s9+s3], $0x3000, $0x38;
	[tilespmem:$0x5F80] =	vst v63  }
0x2e: {  	_ =	swait.ge [sflag:s14], $0x3000  }
0x2f: {  	[sflag:s14] =	ssyncset.done $0x0  }
0x30: {  	[sflag:s14] =	ssyncadd.s32 $0xFFFFD000  }
0x31: {  	[tilespmem:s15], [sflag:$0x2] =	stream.linear.gather [hbm4b:s5+s3], $0x800, $0x38;
	[tilespmem:$0x5F80] =	vst v63  }
.Ltmp2:
0x32: {  	_ =	swait.ge [sflag:s14], $0x800;
	(pc) =	sbr.rel @p0 .LBB2_7-.Ltmp2, $3  }
0x33: {  	[sflag:s14] =	ssyncset.done $0x0  }
0x34: {  	[sflag:s14] =	ssyncadd.s32 $0xFFFFF800  }
0x35: {  	[bflag:$0x0] =	sbarrier.arrive $0xFFFF;
	_ =	sdelay $0x1  }
0x36: {  	p1 =	sne.s32 s6, $0x1  }
.Ltmp3:
0x37: {  	_ = 	snop;
	(pc) =	sbr.rel @!p1 .LBB2_4-.Ltmp3, $3  }
0x38: {  	_ =	sdelay $0x1  }
0x39: {  	[spmem:s2] =	stream.indirect.scatter.add.f32 [tilespmem:s15], [sflag:$0x1], $0x10, s12, s16, $0xb8;
	[tilespmem:$0x5F80] =	vst v63  }
0x3a: {  	s18 =	sadd.s32 $0xFFFFFFFF, s6;
	s19 =	smov.u32 s12  }
.LBB2_3:
0x3b: {  	p1 =	sne.s32 s18, $0x1  }
.Ltmp4:
0x3c: {  	_ = 	snop;
	(pc) =	sbr.rel @p1 .LBB2_3-.Ltmp4, $3  }
0x3d: {  	_ = 	snop  }
0x3e: {  	s18 =	sadd.s32 $0xFFFFFFFF, s18;
	s19 =	sadd.s32 $0x80, s19;
	_ =	sdelay $0x1  }
0x3f: {  	[spmem:s2] =	stream.indirect.scatter.add.f32 [tilespmem:s15], [sflag:$0x1], $0x10, s19, s16, $0xb8;
	[tilespmem:$0x5F80] =	vst v63  }
.LBB2_4:
0x40: {  	p1 =	sne.s32 s6, $0x1  }
.Ltmp5:
0x41: {  	_ = 	snop;
	(pc) =	sbr.rel @!p1 .LBB2_6-.Ltmp5, $3  }
0x42: {  	_ =	sdelay $0x1  }
0x43: {  	_ =	swait.ge [sflag:s4], $0x800  }
0x44: {  	s18 =	sadd.s32 $0xFFFFFFFF, s6;
	[sflag:s4] =	ssyncset.done $0x0  }
.LBB2_5:
0x45: {  	p1 =	sne.s32 s18, $0x1;
	s18 =	sadd.s32 $0xFFFFFFFF, s18;
	[sflag:s4] =	ssyncadd.s32 $0xFFFFF800  }
.Ltmp6:
0x46: {  	(pc) =	sbr.rel @p1 .LBB2_5-.Ltmp6, $3  }
0x47: {  	_ =	sdelay $0x1  }
0x48: {  	_ =	swait.ge [sflag:s4], $0x800  }
0x49: {  	[sflag:s4] =	ssyncset.done $0x0  }
.Ltmp7:
0x4a: {  	_ = 	snop;
	(pc) =	sbr.rel .LBB2_6-.Ltmp7, $1  }
0x4b: {  	_ =	sdelay $0x3  }
.LBB2_8:
0x4c: {  	_ =	sfence.sel $0x180000  }
0x4d: {  	[bflag:$0x0] =	sbarrier.arrive $0xFFFF  }
0x4e: {  	p0 =	sne.s32 s0, $0x0;
	_ =	strace $0x90000047  }
0x4f: {  	s0 =	sadd.s32 @!p0 $0x100000, s1;
	[bflag:$0x2] =	sbarrier.arrive $0xFFFF  }
0x50: {  	[sflag:s0] =	ssyncadd.tile.s32 @!p0 $0x1;
	_ =	shalt  }
.Lfunc_end2:
_tile_overlayer_lowered:
.L_overlay_start_2:
0x51: {  	(tag) =	ssettag $0x2  }
0x52: {  	s0 =	rddreg [dreg:$0x0];
	s2 =	stileid.u32  }
0x53: {  	s1 =	rddreg [dreg:$0x1];
	p0 =	sne.s32 s2, $0x0  }
0x54: {  	s3 =	rddreg [dreg:$0x2];
	[bflag:$0x3] =	sbarrier.arrive $0xFFFF;
	s2 =	simm.s32 @!p0 $0x1C02  }
0x55: {  	[timem:s3], [sflag:s2] =	dma.local @!p0 [hbm:s0], s1  }
0x56: {  	s0 =	simm.s32 @!p0 $0x2  }
0x57: {  	_ =	swait.ge @!p0 [sflag:s0], s1  }
0x58: {  	s1 =	ssub.s32 @!p0 $0x0, s1;
	[sflag:s0] =	ssyncset.done @!p0 $0x0  }
0x59: {  	[sflag:s0] =	ssyncadd.s32 @!p0 s1  }
0x5a: {  	[bflag:$0x3] =	sbarrier.arrive $0xFFFF  }
0x5b: {  	_ =	shalt  }

</sc_bundles>
